<compile_context>
chip_gen: v7x
topology: tpu7x:2x2x1
jax: 0.10.2.dev20260603
libtpu: 0.0.44.dev20260713+nightly
codegen_flags: <defaults>
</compile_context>

<pallas_src>
import functools

import jax
import jax.numpy as jnp
from jax import lax
from jax.experimental import pallas as pl
from jax.experimental.pallas import tpu as pltpu
from jax.experimental.pallas import tpu_sc as plsc

N = 3200000
NUM_CLASSES = 5
S = 10000

NC = 2
NS = 16
NW = NC * NS
L = 16

C = 128000

CHUNKS = (896000, 1152000, 1152000)
assert sum(CHUNKS) == N



def _ce_body(yp_ref, yt_ref, out_ref):
    x = yp_ref[...]
    e = jnp.exp(x)
    yt = yt_ref[...]
    sel = lax.broadcasted_iota(jnp.int32, (NUM_CLASSES, C), 0) == yt[None, :]
    xm = jnp.where(sel, x, 0.0)
    ones_row = jnp.ones((1, NUM_CLASSES), jnp.float32)
    dn = (((1,), (0,)), ((), ()))
    s = lax.dot_general(ones_row, e, dn, preferred_element_type=jnp.float32)
    picked = lax.dot_general(ones_row, xm, dn, preferred_element_type=jnp.float32)
    out_ref[...] = (jnp.log(s) - picked)[0]


def _ce_loss(ypT, y_true, blk_off, nblk):
    return pl.pallas_call(
        _ce_body,
        grid=(nblk,),
        in_specs=[
            pl.BlockSpec((NUM_CLASSES, C), lambda i, o=blk_off: (0, i + o)),
            pl.BlockSpec((C,), lambda i, o=blk_off: (i + o,)),
        ],
        out_specs=pl.BlockSpec((C,), lambda i: (i,)),
        out_shape=jax.ShapeDtypeStruct((nblk * C,), jnp.float32),
    )(ypT, y_true)



_mesh = plsc.VectorSubcoreMesh(
    core_axis_name="c", subcore_axis_name="s", num_cores=NC, num_subcores=NS
)


def _make_sc_partials(chunk_rows, ids_off):
    rows_per_tile = chunk_rows // NW
    nblk = 2
    r_blk = rows_per_tile // nblk
    stride = r_blk // L
    assert stride % 2 == 1 and r_blk % 8 == 0

    @functools.partial(
        pl.kernel,
        out_type=(
            jax.ShapeDtypeStruct((NW, S), jnp.float32),
            jax.ShapeDtypeStruct((NW, S), jnp.float32),
        ),
        mesh=_mesh,
        compiler_params=pltpu.CompilerParams(needs_layout_passes=False),
        scratch_types=(
            pltpu.VMEM((r_blk,), jnp.float32),
            pltpu.VMEM((r_blk,), jnp.int32),
            pltpu.VMEM((r_blk,), jnp.float32),
            pltpu.VMEM((r_blk,), jnp.int32),
            pltpu.VMEM((S,), jnp.float32),
            pltpu.VMEM((S,), jnp.float32),
            pltpu.SemaphoreType.DMA,
            pltpu.SemaphoreType.DMA,
        ),
    )
    def _sc_partials(loss_hbm, ids_hbm, psum_hbm, pcnt_hbm,
                     loss0_v, ids0_v, loss1_v, ids1_v, sum_v, cnt_v,
                     sem0, sem1):
        wid = lax.axis_index("s") * NC + lax.axis_index("c")
        row0 = wid * rows_per_tile

        def start(b, lv, iv, sem):
            r0 = row0 + b * r_blk
            pltpu.async_copy(loss_hbm.at[pl.ds(r0, r_blk)], lv, sem)
            pltpu.async_copy(ids_hbm.at[pl.ds(ids_off + r0, r_blk)], iv, sem)

        def drain(lv, iv, sem):
            pltpu.make_async_copy(loss_hbm.at[pl.ds(0, r_blk)], lv, sem).wait()
            pltpu.make_async_copy(ids_hbm.at[pl.ds(0, r_blk)], iv, sem).wait()

        ones = jnp.ones((L,), jnp.float32)
        base = lax.iota(jnp.int32, L) * stride

        def process(lv_ref, iv_ref):
            @plsc.parallel_loop(0, stride, unroll=5)
            def _vec(i):
                idx = base + i
                lv = plsc.load_gather(lv_ref, [idx])
                seg = plsc.load_gather(iv_ref, [idx])
                plsc.addupdate_scatter(sum_v, [seg], lv)
                plsc.addupdate_scatter(cnt_v, [seg], ones)

        start(0, loss0_v, ids0_v, sem0)

        zeros = jnp.zeros((L,), jnp.float32)

        @plsc.parallel_loop(0, S // L, unroll=5)
        def _zero(i):
            sum_v[pl.ds(i * L, L)] = zeros
            cnt_v[pl.ds(i * L, L)] = zeros

        @pl.loop(0, nblk // 2)
        def _pair(k):
            b0 = 2 * k
            start(b0 + 1, loss1_v, ids1_v, sem1)
            drain(loss0_v, ids0_v, sem0)
            process(loss0_v, ids0_v)
            start(jnp.minimum(b0 + 2, nblk - 1), loss0_v, ids0_v, sem0)
            drain(loss1_v, ids1_v, sem1)
            process(loss1_v, ids1_v)

        drain(loss0_v, ids0_v, sem0)

        pltpu.sync_copy(sum_v, psum_hbm.at[wid])
        pltpu.sync_copy(cnt_v, pcnt_hbm.at[wid])

    return _sc_partials


_SC_KERNELS = []
_off = 0
for _rows in CHUNKS:
    _SC_KERNELS.append(_make_sc_partials(_rows, _off))
    _off += _rows



def _tc_combine_body(s0, c0, s1, c1, s2, c2, out_ref):
    tot_s = jnp.sum(s0[...], axis=0) + jnp.sum(s1[...], axis=0) + jnp.sum(s2[...], axis=0)
    tot_c = jnp.sum(c0[...], axis=0) + jnp.sum(c1[...], axis=0) + jnp.sum(c2[...], axis=0)
    out_ref[...] = tot_s / tot_c


def _tc_combine(parts):
    args = [a for sc in parts for a in sc]
    return pl.pallas_call(
        _tc_combine_body,
        out_shape=jax.ShapeDtypeStruct((S,), jnp.float32),
    )(*args)


def kernel(y_pred, y_true, cluster_ids):
    ids = cluster_ids.reshape(-1)
    ypT = y_pred.T
    parts = []
    blk_off = 0
    for ci, rows in enumerate(CHUNKS):
        nblk = rows // C
        loss = _ce_loss(ypT, y_true, blk_off, nblk)
        parts.append(_SC_KERNELS[ci](loss, ids))
        blk_off += nblk
    return _tc_combine(parts)

# --- scband reference (transcript-rebuilt; emitter-appended) ---
"""Pipeline reference for scband-loss-per-id-4698694221868 (READ-ONLY COPY).

The authoritative reference and input builder live on the scoring server;
editing this copy changes nothing except your own understanding.
"""

import jax, jax.numpy as jnp
import numpy as np

N = 3200000
NUM_CLASSES = 5
NUM_SEGMENTS = 10000

def setup_inputs(seed: int = 0) -> dict:
    key = jax.random.key(seed)
    k1, k2, k3 = jax.random.split(key, 3)
    y_pred = jax.random.normal(k1, (N, NUM_CLASSES), dtype=jnp.float32)
    y_true = jax.random.randint(k2, (N,), 0, NUM_CLASSES, dtype=jnp.int32)
    cluster_ids = jnp.sort(jax.random.randint(k3, (N,), 0, NUM_SEGMENTS, dtype=jnp.int32))
    return {"y_pred": y_pred, "y_true": y_true, "cluster_ids": cluster_ids}

def reference(y_pred, y_true, cluster_ids):
    # criterion = CrossEntropyLoss(reduction='none'): per-sample CE loss
    cluster_ids = cluster_ids.reshape(y_true.shape[0])
    log_z = jax.nn.logsumexp(y_pred, axis=1)
    picked = jnp.take_along_axis(y_pred, y_true[:, None].astype(jnp.int32), axis=1)[:, 0]
    per_sample_loss = log_z - picked
    # torch loops over cluster_ids.unique() (sorted) computing loss.sum()/count per group;
    # with all NUM_SEGMENTS groups present this equals a segment mean over sorted ids.
    seg_sum = jax.ops.segment_sum(per_sample_loss, cluster_ids, num_segments=NUM_SEGMENTS)
    seg_cnt = jax.ops.segment_sum(jnp.ones_like(per_sample_loss), cluster_ids, num_segments=NUM_SEGMENTS)
    return seg_sum / seg_cnt

if __name__ == "__main__":
    import jax
    _d = setup_inputs()
    print(jax.jit(kernel)(*tuple(_d.values())))

</pallas_src>

<mosaic_0001>
#map = affine_map<(d0, d1) -> (0)>
#map1 = affine_map<(d0, d1) -> (0, 0)>
module attributes {stable_mosaic.version = 14 : i64} {
  func.func @_sc_partials(%arg0: i32, %arg1: i32, %arg2: memref<1152000xf32, #tpu.memory_space<hbm>>, %arg3: memref<3200000xi32, #tpu.memory_space<hbm>>, %arg4: memref<32x10000xf32, #tpu.memory_space<hbm>>, %arg5: memref<32x10000xf32, #tpu.memory_space<hbm>>, %arg6: memref<18000xf32, #tpu.memory_space<vmem>>, %arg7: memref<18000xi32, #tpu.memory_space<vmem>>, %arg8: memref<18000xf32, #tpu.memory_space<vmem>>, %arg9: memref<18000xi32, #tpu.memory_space<vmem>>, %arg10: memref<10000xf32, #tpu.memory_space<vmem>>, %arg11: memref<10000xf32, #tpu.memory_space<vmem>>, %arg12: memref<!tpu.dma_semaphore, #tpu.memory_space<semaphore_mem>>, %arg13: memref<!tpu.dma_semaphore, #tpu.memory_space<semaphore_mem>>) attributes {dimension_semantics = [#tpu.dimension_semantics<core_parallel>, #tpu.dimension_semantics<subcore_parallel>], iteration_bounds = array<i64: 2, 16>, scalar_prefetch = 0 : i64, scratch_operands = 8 : i64, tpu.core_type = #tpu.core_type<sc_vector_subcore>, window_params = [{transform_indices = #map}, {transform_indices = #map}, {transform_indices = #map1}, {transform_indices = #map1}]} {
    %mul3A = arith.constant 2 : i32
    %mul3A_0 = arith.muli %arg1, %mul3A : i32
    %add3A = arith.addi %mul3A_0, %arg0 : i32
    %mul3A_1 = arith.constant 36000 : i32
    %mul3A_2 = arith.muli %add3A, %mul3A_1 : i32
    %broadcast_in_dim3A = arith.constant 1.000000e+00 : f32
    %broadcast_in_dim3A_3 = vector.broadcast %broadcast_in_dim3A : f32 to vector<16xf32>
    %iota3A = tpu.iota {dimensions = array<i32: 0>} : vector<16xi32>
    %mul3A_4 = arith.constant 1125 : i32
    %mul3A_5 = vector.broadcast %mul3A_4 : i32 to vector<16xi32>
    %mul3A_6 = arith.muli %iota3A, %mul3A_5 : vector<16xi32>
    %add3A_7 = arith.constant 0 : i32
    %add3A_8 = arith.addi %mul3A_2, %add3A_7 : i32
    %dma_start3A = tpu.memref_slice %arg2[%add3A_8] : memref<1152000xf32, #tpu.memory_space<hbm>> -> memref<18000xf32, #tpu.memory_space<hbm>>
    %dma_start3A_9 = tpu.memref_slice %arg2[%add3A_8] : memref<1152000xf32, #tpu.memory_space<hbm>> -> memref<18000xf32, #tpu.memory_space<hbm>>
    tpu.enqueue_dma source(%dma_start3A_9 : memref<18000xf32, #tpu.memory_space<hbm>>) target(%arg6 : memref<18000xf32, #tpu.memory_space<vmem>>) target_semaphore(%arg12 : memref<!tpu.dma_semaphore, #tpu.memory_space<semaphore_mem>>)
    %add3A_10 = arith.constant 2048000 : i32
    %add3A_11 = arith.addi %add3A_10, %add3A_8 : i32
    %dma_start3A_12 = tpu.memref_slice %arg3[%add3A_11] : memref<3200000xi32, #tpu.memory_space<hbm>> -> memref<18000xi32, #tpu.memory_space<hbm>>
    %dma_start3A_13 = tpu.memref_slice %arg3[%add3A_11] : memref<3200000xi32, #tpu.memory_space<hbm>> -> memref<18000xi32, #tpu.memory_space<hbm>>
    tpu.enqueue_dma source(%dma_start3A_13 : memref<18000xi32, #tpu.memory_space<hbm>>) target(%arg7 : memref<18000xi32, #tpu.memory_space<vmem>>) target_semaphore(%arg12 : memref<!tpu.dma_semaphore, #tpu.memory_space<semaphore_mem>>)
    %broadcast_in_dim3A_14 = arith.constant 0.000000e+00 : f32
    %broadcast_in_dim3A_15 = vector.broadcast %broadcast_in_dim3A_14 : f32 to vector<16xf32>
    %parallel_loop3A = arith.constant 0 : i32
    %parallel_loop3A_16 = arith.constant 625 : i32
    %parallel_loop3A_17 = arith.constant 1 : i32
    scf.for %parallel_loop3A_77 = %parallel_loop3A to %parallel_loop3A_16 step %parallel_loop3A_17  : i32 {
      %parallel_loop3A_78 = arith.constant 16 : i32
      %parallel_loop3A_79 = arith.muli %parallel_loop3A_77, %parallel_loop3A_78 : i32
      %parallel_loop3A_80 = arith.index_cast %parallel_loop3A_79 : i32 to index
      %parallel_loop3A_81 = tpu.vector_load %arg10[%parallel_loop3A_80] {strides = array<i32>} : memref<10000xf32, #tpu.memory_space<vmem>>, vector<16xf32>,
      tpu.vector_store %arg10[%parallel_loop3A_80], %broadcast_in_dim3A_15 {strides = array<i32>} : memref<10000xf32, #tpu.memory_space<vmem>>, vector<16xf32>,
      %parallel_loop3A_82 = arith.constant 16 : i32
      %parallel_loop3A_83 = arith.muli %parallel_loop3A_77, %parallel_loop3A_82 : i32
      %parallel_loop3A_84 = arith.index_cast %parallel_loop3A_83 : i32 to index
      %parallel_loop3A_85 = tpu.vector_load %arg11[%parallel_loop3A_84] {strides = array<i32>} : memref<10000xf32, #tpu.memory_space<vmem>>, vector<16xf32>,
      tpu.vector_store %arg11[%parallel_loop3A_84], %broadcast_in_dim3A_15 {strides = array<i32>} : memref<10000xf32, #tpu.memory_space<vmem>>, vector<16xf32>,
    } {sc.loop_unroll_factor = 5 : i64, sc.parallel_access}
    %scan3A = arith.constant 0 : i32
    %mul3A_18 = arith.constant 1 : i32
    %mul3A_19 = arith.muli %scan3A, %mul3A_18 : i32
    %add3A_20 = arith.constant 0 : i32
    %add3A_21 = arith.addi %add3A_20, %mul3A_19 : i32
    %mul3A_22 = arith.constant 2 : i32
    %mul3A_23 = arith.muli %mul3A_22, %add3A_21 : i32
    %add3A_24 = arith.constant 1 : i32
    %add3A_25 = arith.addi %mul3A_23, %add3A_24 : i32
    %mul3A_26 = arith.constant 18000 : i32
    %mul3A_27 = arith.muli %add3A_25, %mul3A_26 : i32
    %add3A_28 = arith.addi %mul3A_2, %mul3A_27 : i32
    %dma_start3A_29 = tpu.memref_slice %arg2[%add3A_28] : memref<1152000xf32, #tpu.memory_space<hbm>> -> memref<18000xf32, #tpu.memory_space<hbm>>
    %dma_start3A_30 = tpu.memref_slice %arg2[%add3A_28] : memref<1152000xf32, #tpu.memory_space<hbm>> -> memref<18000xf32, #tpu.memory_space<hbm>>
    tpu.enqueue_dma source(%dma_start3A_30 : memref<18000xf32, #tpu.memory_space<hbm>>) target(%arg8 : memref<18000xf32, #tpu.memory_space<vmem>>) target_semaphore(%arg13 : memref<!tpu.dma_semaphore, #tpu.memory_space<semaphore_mem>>)
    %add3A_31 = arith.constant 2048000 : i32
    %add3A_32 = arith.addi %add3A_31, %add3A_28 : i32
    %dma_start3A_33 = tpu.memref_slice %arg3[%add3A_32] : memref<3200000xi32, #tpu.memory_space<hbm>> -> memref<18000xi32, #tpu.memory_space<hbm>>
    %dma_start3A_34 = tpu.memref_slice %arg3[%add3A_32] : memref<3200000xi32, #tpu.memory_space<hbm>> -> memref<18000xi32, #tpu.memory_space<hbm>>
    tpu.enqueue_dma source(%dma_start3A_34 : memref<18000xi32, #tpu.memory_space<hbm>>) target(%arg9 : memref<18000xi32, #tpu.memory_space<vmem>>) target_semaphore(%arg13 : memref<!tpu.dma_semaphore, #tpu.memory_space<semaphore_mem>>)
    %dma_wait3A = arith.constant 0 : i32
    %dma_wait3A_35 = tpu.memref_slice %arg2[%dma_wait3A] : memref<1152000xf32, #tpu.memory_space<hbm>> -> memref<18000xf32, #tpu.memory_space<hbm>>
    %dma_wait3A_36 = arith.constant 0 : i32
    %dma_wait3A_37 = tpu.memref_slice %arg2[%dma_wait3A_36] : memref<1152000xf32, #tpu.memory_space<hbm>> -> memref<18000xf32, #tpu.memory_space<hbm>>
    tpu.wait_dma2 semaphore(%arg12 : memref<!tpu.dma_semaphore, #tpu.memory_space<semaphore_mem>>) src(%dma_wait3A_37 : memref<18000xf32, #tpu.memory_space<hbm>>) dst(%arg6 : memref<18000xf32, #tpu.memory_space<vmem>>)
    %dma_wait3A_38 = arith.constant 0 : i32
    %dma_wait3A_39 = tpu.memref_slice %arg3[%dma_wait3A_38] : memref<3200000xi32, #tpu.memory_space<hbm>> -> memref<18000xi32, #tpu.memory_space<hbm>>
    %dma_wait3A_40 = arith.constant 0 : i32
    %dma_wait3A_41 = tpu.memref_slice %arg3[%dma_wait3A_40] : memref<3200000xi32, #tpu.memory_space<hbm>> -> memref<18000xi32, #tpu.memory_space<hbm>>
    tpu.wait_dma2 semaphore(%arg12 : memref<!tpu.dma_semaphore, #tpu.memory_space<semaphore_mem>>) src(%dma_wait3A_41 : memref<18000xi32, #tpu.memory_space<hbm>>) dst(%arg7 : memref<18000xi32, #tpu.memory_space<vmem>>)
    %parallel_loop3A_42 = arith.constant 0 : i32
    %parallel_loop3A_43 = arith.constant 1125 : i32
    %parallel_loop3A_44 = arith.constant 1 : i32
    scf.for %parallel_loop3A_77 = %parallel_loop3A_42 to %parallel_loop3A_43 step %parallel_loop3A_44  : i32 {
      %parallel_loop3A_78 = vector.broadcast %parallel_loop3A_77 : i32 to vector<16xi32>
      %parallel_loop3A_79 = arith.addi %mul3A_6, %parallel_loop3A_78 : vector<16xi32>
      %parallel_loop3A_80 = tpu.vector_load_idx %arg6[%parallel_loop3A_79] : memref<18000xf32, #tpu.memory_space<vmem>>[vector<16xi32>], vector<16xf32>,
      %parallel_loop3A_81 = tpu.vector_load_idx %arg7[%parallel_loop3A_79] : memref<18000xi32, #tpu.memory_space<vmem>>[vector<16xi32>], vector<16xi32>,
      tpu.vector_store_idx %arg10[%parallel_loop3A_81], %parallel_loop3A_80 {add = true} : memref<10000xf32, #tpu.memory_space<vmem>>[vector<16xi32>], vector<16xf32>,
      tpu.vector_store_idx %arg11[%parallel_loop3A_81], %broadcast_in_dim3A_3 {add = true} : memref<10000xf32, #tpu.memory_space<vmem>>[vector<16xi32>], vector<16xf32>,
    } {sc.loop_unroll_factor = 5 : i64, sc.parallel_access}
    %add3A_45 = arith.constant 2 : i32
    %add3A_46 = arith.addi %mul3A_23, %add3A_45 : i32
    %min3A = arith.constant 1 : i32
    %min3A_47 = arith.minsi %add3A_46, %min3A : i32
    %mul3A_48 = arith.constant 18000 : i32
    %mul3A_49 = arith.muli %min3A_47, %mul3A_48 : i32
    %add3A_50 = arith.addi %mul3A_2, %mul3A_49 : i32
    %dma_start3A_51 = tpu.memref_slice %arg2[%add3A_50] : memref<1152000xf32, #tpu.memory_space<hbm>> -> memref<18000xf32, #tpu.memory_space<hbm>>
    %dma_start3A_52 = tpu.memref_slice %arg2[%add3A_50] : memref<1152000xf32, #tpu.memory_space<hbm>> -> memref<18000xf32, #tpu.memory_space<hbm>>
    tpu.enqueue_dma source(%dma_start3A_52 : memref<18000xf32, #tpu.memory_space<hbm>>) target(%arg6 : memref<18000xf32, #tpu.memory_space<vmem>>) target_semaphore(%arg12 : memref<!tpu.dma_semaphore, #tpu.memory_space<semaphore_mem>>)
    %add3A_53 = arith.constant 2048000 : i32
    %add3A_54 = arith.addi %add3A_53, %add3A_50 : i32
    %dma_start3A_55 = tpu.memref_slice %arg3[%add3A_54] : memref<3200000xi32, #tpu.memory_space<hbm>> -> memref<18000xi32, #tpu.memory_space<hbm>>
    %dma_start3A_56 = tpu.memref_slice %arg3[%add3A_54] : memref<3200000xi32, #tpu.memory_space<hbm>> -> memref<18000xi32, #tpu.memory_space<hbm>>
    tpu.enqueue_dma source(%dma_start3A_56 : memref<18000xi32, #tpu.memory_space<hbm>>) target(%arg7 : memref<18000xi32, #tpu.memory_space<vmem>>) target_semaphore(%arg12 : memref<!tpu.dma_semaphore, #tpu.memory_space<semaphore_mem>>)
    %dma_wait3A_57 = arith.constant 0 : i32
    %dma_wait3A_58 = tpu.memref_slice %arg2[%dma_wait3A_57] : memref<1152000xf32, #tpu.memory_space<hbm>> -> memref<18000xf32, #tpu.memory_space<hbm>>
    %dma_wait3A_59 = arith.constant 0 : i32
    %dma_wait3A_60 = tpu.memref_slice %arg2[%dma_wait3A_59] : memref<1152000xf32, #tpu.memory_space<hbm>> -> memref<18000xf32, #tpu.memory_space<hbm>>
    tpu.wait_dma2 semaphore(%arg13 : memref<!tpu.dma_semaphore, #tpu.memory_space<semaphore_mem>>) src(%dma_wait3A_60 : memref<18000xf32, #tpu.memory_space<hbm>>) dst(%arg8 : memref<18000xf32, #tpu.memory_space<vmem>>)
    %dma_wait3A_61 = arith.constant 0 : i32
    %dma_wait3A_62 = tpu.memref_slice %arg3[%dma_wait3A_61] : memref<3200000xi32, #tpu.memory_space<hbm>> -> memref<18000xi32, #tpu.memory_space<hbm>>
    %dma_wait3A_63 = arith.constant 0 : i32
    %dma_wait3A_64 = tpu.memref_slice %arg3[%dma_wait3A_63] : memref<3200000xi32, #tpu.memory_space<hbm>> -> memref<18000xi32, #tpu.memory_space<hbm>>
    tpu.wait_dma2 semaphore(%arg13 : memref<!tpu.dma_semaphore, #tpu.memory_space<semaphore_mem>>) src(%dma_wait3A_64 : memref<18000xi32, #tpu.memory_space<hbm>>) dst(%arg9 : memref<18000xi32, #tpu.memory_space<vmem>>)
    %parallel_loop3A_65 = arith.constant 0 : i32
    %parallel_loop3A_66 = arith.constant 1125 : i32
    %parallel_loop3A_67 = arith.constant 1 : i32
    scf.for %parallel_loop3A_77 = %parallel_loop3A_65 to %parallel_loop3A_66 step %parallel_loop3A_67  : i32 {
      %parallel_loop3A_78 = vector.broadcast %parallel_loop3A_77 : i32 to vector<16xi32>
      %parallel_loop3A_79 = arith.addi %mul3A_6, %parallel_loop3A_78 : vector<16xi32>
      %parallel_loop3A_80 = tpu.vector_load_idx %arg8[%parallel_loop3A_79] : memref<18000xf32, #tpu.memory_space<vmem>>[vector<16xi32>], vector<16xf32>,
      %parallel_loop3A_81 = tpu.vector_load_idx %arg9[%parallel_loop3A_79] : memref<18000xi32, #tpu.memory_space<vmem>>[vector<16xi32>], vector<16xi32>,
      tpu.vector_store_idx %arg10[%parallel_loop3A_81], %parallel_loop3A_80 {add = true} : memref<10000xf32, #tpu.memory_space<vmem>>[vector<16xi32>], vector<16xf32>,
      tpu.vector_store_idx %arg11[%parallel_loop3A_81], %broadcast_in_dim3A_3 {add = true} : memref<10000xf32, #tpu.memory_space<vmem>>[vector<16xi32>], vector<16xf32>,
    } {sc.loop_unroll_factor = 5 : i64, sc.parallel_access}
    %scan3A_68 = arith.constant 1 : i32
    %dma_wait3A_69 = arith.constant 0 : i32
    %dma_wait3A_70 = tpu.memref_slice %arg2[%dma_wait3A_69] : memref<1152000xf32, #tpu.memory_space<hbm>> -> memref<18000xf32, #tpu.memory_space<hbm>>
    %dma_wait3A_71 = arith.constant 0 : i32
    %dma_wait3A_72 = tpu.memref_slice %arg2[%dma_wait3A_71] : memref<1152000xf32, #tpu.memory_space<hbm>> -> memref<18000xf32, #tpu.memory_space<hbm>>
    tpu.wait_dma2 semaphore(%arg12 : memref<!tpu.dma_semaphore, #tpu.memory_space<semaphore_mem>>) src(%dma_wait3A_72 : memref<18000xf32, #tpu.memory_space<hbm>>) dst(%arg6 : memref<18000xf32, #tpu.memory_space<vmem>>)
    %dma_wait3A_73 = arith.constant 0 : i32
    %dma_wait3A_74 = tpu.memref_slice %arg3[%dma_wait3A_73] : memref<3200000xi32, #tpu.memory_space<hbm>> -> memref<18000xi32, #tpu.memory_space<hbm>>
    %dma_wait3A_75 = arith.constant 0 : i32
    %dma_wait3A_76 = tpu.memref_slice %arg3[%dma_wait3A_75] : memref<3200000xi32, #tpu.memory_space<hbm>> -> memref<18000xi32, #tpu.memory_space<hbm>>
    tpu.wait_dma2 semaphore(%arg12 : memref<!tpu.dma_semaphore, #tpu.memory_space<semaphore_mem>>) src(%dma_wait3A_76 : memref<18000xi32, #tpu.memory_space<hbm>>) dst(%arg7 : memref<18000xi32, #tpu.memory_space<vmem>>)
    "tpu.region"() ({
      %run_scoped3A = tpu.sem_alloc : memref<!tpu.dma_semaphore, #tpu.memory_space<semaphore_mem>>
      %dma_start3A_77 = arith.constant 0 : i32
      %dma_start3A_78 = tpu.memref_slice %arg4[%add3A, %dma_start3A_77] : memref<32x10000xf32, #tpu.memory_space<hbm>> -> memref<1x10000xf32, #tpu.memory_space<hbm>>
      %dma_start3A_79 = tpu.memref_squeeze %dma_start3A_78 : memref<1x10000xf32, #tpu.memory_space<hbm>> -> memref<10000xf32, #tpu.memory_space<hbm>>
      %dma_start3A_80 = arith.constant 0 : i32
      %dma_start3A_81 = tpu.memref_slice %arg4[%add3A, %dma_start3A_80] : memref<32x10000xf32, #tpu.memory_space<hbm>> -> memref<1x10000xf32, #tpu.memory_space<hbm>>
      %dma_start3A_82 = tpu.memref_squeeze %dma_start3A_81 : memref<1x10000xf32, #tpu.memory_space<hbm>> -> memref<10000xf32, #tpu.memory_space<hbm>>
      tpu.enqueue_dma source(%arg10 : memref<10000xf32, #tpu.memory_space<vmem>>) target(%dma_start3A_82 : memref<10000xf32, #tpu.memory_space<hbm>>) target_semaphore(%run_scoped3A : memref<!tpu.dma_semaphore, #tpu.memory_space<semaphore_mem>>)
      %dma_wait3A_83 = arith.constant 0 : i32
      %dma_wait3A_84 = tpu.memref_slice %arg4[%add3A, %dma_wait3A_83] : memref<32x10000xf32, #tpu.memory_space<hbm>> -> memref<1x10000xf32, #tpu.memory_space<hbm>>
      %dma_wait3A_85 = tpu.memref_squeeze %dma_wait3A_84 : memref<1x10000xf32, #tpu.memory_space<hbm>> -> memref<10000xf32, #tpu.memory_space<hbm>>
      %dma_wait3A_86 = arith.constant 0 : i32
      %dma_wait3A_87 = tpu.memref_slice %arg4[%add3A, %dma_wait3A_86] : memref<32x10000xf32, #tpu.memory_space<hbm>> -> memref<1x10000xf32, #tpu.memory_space<hbm>>
      %dma_wait3A_88 = tpu.memref_squeeze %dma_wait3A_87 : memref<1x10000xf32, #tpu.memory_space<hbm>> -> memref<10000xf32, #tpu.memory_space<hbm>>
      tpu.wait_dma2 semaphore(%run_scoped3A : memref<!tpu.dma_semaphore, #tpu.memory_space<semaphore_mem>>) src(%arg10 : memref<10000xf32, #tpu.memory_space<vmem>>) dst(%dma_wait3A_88 : memref<10000xf32, #tpu.memory_space<hbm>>)
      tpu.yield
    }) : () -> ()
    "tpu.region"() ({
      %run_scoped3A = tpu.sem_alloc : memref<!tpu.dma_semaphore, #tpu.memory_space<semaphore_mem>>
      %dma_start3A_77 = arith.constant 0 : i32
      %dma_start3A_78 = tpu.memref_slice %arg5[%add3A, %dma_start3A_77] : memref<32x10000xf32, #tpu.memory_space<hbm>> -> memref<1x10000xf32, #tpu.memory_space<hbm>>
      %dma_start3A_79 = tpu.memref_squeeze %dma_start3A_78 : memref<1x10000xf32, #tpu.memory_space<hbm>> -> memref<10000xf32, #tpu.memory_space<hbm>>
      %dma_start3A_80 = arith.constant 0 : i32
      %dma_start3A_81 = tpu.memref_slice %arg5[%add3A, %dma_start3A_80] : memref<32x10000xf32, #tpu.memory_space<hbm>> -> memref<1x10000xf32, #tpu.memory_space<hbm>>
      %dma_start3A_82 = tpu.memref_squeeze %dma_start3A_81 : memref<1x10000xf32, #tpu.memory_space<hbm>> -> memref<10000xf32, #tpu.memory_space<hbm>>
      tpu.enqueue_dma source(%arg11 : memref<10000xf32, #tpu.memory_space<vmem>>) target(%dma_start3A_82 : memref<10000xf32, #tpu.memory_space<hbm>>) target_semaphore(%run_scoped3A : memref<!tpu.dma_semaphore, #tpu.memory_space<semaphore_mem>>)
      %dma_wait3A_83 = arith.constant 0 : i32
      %dma_wait3A_84 = tpu.memref_slice %arg5[%add3A, %dma_wait3A_83] : memref<32x10000xf32, #tpu.memory_space<hbm>> -> memref<1x10000xf32, #tpu.memory_space<hbm>>
      %dma_wait3A_85 = tpu.memref_squeeze %dma_wait3A_84 : memref<1x10000xf32, #tpu.memory_space<hbm>> -> memref<10000xf32, #tpu.memory_space<hbm>>
      %dma_wait3A_86 = arith.constant 0 : i32
      %dma_wait3A_87 = tpu.memref_slice %arg5[%add3A, %dma_wait3A_86] : memref<32x10000xf32, #tpu.memory_space<hbm>> -> memref<1x10000xf32, #tpu.memory_space<hbm>>
      %dma_wait3A_88 = tpu.memref_squeeze %dma_wait3A_87 : memref<1x10000xf32, #tpu.memory_space<hbm>> -> memref<10000xf32, #tpu.memory_space<hbm>>
      tpu.wait_dma2 semaphore(%run_scoped3A : memref<!tpu.dma_semaphore, #tpu.memory_space<semaphore_mem>>) src(%arg11 : memref<10000xf32, #tpu.memory_space<vmem>>) dst(%dma_wait3A_88 : memref<10000xf32, #tpu.memory_space<hbm>>)
      tpu.yield
    }) : () -> ()
    return
  }
}

#map = affine_map<(d0, d1) -> (0)>
#map1 = affine_map<(d0, d1) -> (0, 0)>
module attributes {stable_mosaic.version = 14 : i64} {
  func.func @_sc_partials(%arg0: i32, %arg1: i32, %arg2: memref<896000xf32, #tpu.memory_space<hbm>>, %arg3: memref<3200000xi32, #tpu.memory_space<hbm>>, %arg4: memref<32x10000xf32, #tpu.memory_space<hbm>>, %arg5: memref<32x10000xf32, #tpu.memory_space<hbm>>, %arg6: memref<14000xf32, #tpu.memory_space<vmem>>, %arg7: memref<14000xi32, #tpu.memory_space<vmem>>, %arg8: memref<14000xf32, #tpu.memory_space<vmem>>, %arg9: memref<14000xi32, #tpu.memory_space<vmem>>, %arg10: memref<10000xf32, #tpu.memory_space<vmem>>, %arg11: memref<10000xf32, #tpu.memory_space<vmem>>, %arg12: memref<!tpu.dma_semaphore, #tpu.memory_space<semaphore_mem>>, %arg13: memref<!tpu.dma_semaphore, #tpu.memory_space<semaphore_mem>>) attributes {dimension_semantics = [#tpu.dimension_semantics<core_parallel>, #tpu.dimension_semantics<subcore_parallel>], iteration_bounds = array<i64: 2, 16>, scalar_prefetch = 0 : i64, scratch_operands = 8 : i64, tpu.core_type = #tpu.core_type<sc_vector_subcore>, window_params = [{transform_indices = #map}, {transform_indices = #map}, {transform_indices = #map1}, {transform_indices = #map1}]} {
    %mul3A = arith.constant 2 : i32
    %mul3A_0 = arith.muli %arg1, %mul3A : i32
    %add3A = arith.addi %mul3A_0, %arg0 : i32
    %mul3A_1 = arith.constant 28000 : i32
    %mul3A_2 = arith.muli %add3A, %mul3A_1 : i32
    %broadcast_in_dim3A = arith.constant 1.000000e+00 : f32
    %broadcast_in_dim3A_3 = vector.broadcast %broadcast_in_dim3A : f32 to vector<16xf32>
    %iota3A = tpu.iota {dimensions = array<i32: 0>} : vector<16xi32>
    %mul3A_4 = arith.constant 875 : i32
    %mul3A_5 = vector.broadcast %mul3A_4 : i32 to vector<16xi32>
    %mul3A_6 = arith.muli %iota3A, %mul3A_5 : vector<16xi32>
    %add3A_7 = arith.constant 0 : i32
    %add3A_8 = arith.addi %mul3A_2, %add3A_7 : i32
    %dma_start3A = tpu.memref_slice %arg2[%add3A_8] : memref<896000xf32, #tpu.memory_space<hbm>> -> memref<14000xf32, #tpu.memory_space<hbm>>
    %dma_start3A_9 = tpu.memref_slice %arg2[%add3A_8] : memref<896000xf32, #tpu.memory_space<hbm>> -> memref<14000xf32, #tpu.memory_space<hbm>>
    tpu.enqueue_dma source(%dma_start3A_9 : memref<14000xf32, #tpu.memory_space<hbm>>) target(%arg6 : memref<14000xf32, #tpu.memory_space<vmem>>) target_semaphore(%arg12 : memref<!tpu.dma_semaphore, #tpu.memory_space<semaphore_mem>>)
    %add3A_10 = arith.constant 0 : i32
    %add3A_11 = arith.addi %add3A_10, %add3A_8 : i32
    %dma_start3A_12 = tpu.memref_slice %arg3[%add3A_11] : memref<3200000xi32, #tpu.memory_space<hbm>> -> memref<14000xi32, #tpu.memory_space<hbm>>
    %dma_start3A_13 = tpu.memref_slice %arg3[%add3A_11] : memref<3200000xi32, #tpu.memory_space<hbm>> -> memref<14000xi32, #tpu.memory_space<hbm>>
    tpu.enqueue_dma source(%dma_start3A_13 : memref<14000xi32, #tpu.memory_space<hbm>>) target(%arg7 : memref<14000xi32, #tpu.memory_space<vmem>>) target_semaphore(%arg12 : memref<!tpu.dma_semaphore, #tpu.memory_space<semaphore_mem>>)
    %broadcast_in_dim3A_14 = arith.constant 0.000000e+00 : f32
    %broadcast_in_dim3A_15 = vector.broadcast %broadcast_in_dim3A_14 : f32 to vector<16xf32>
    %parallel_loop3A = arith.constant 0 : i32
    %parallel_loop3A_16 = arith.constant 625 : i32
    %parallel_loop3A_17 = arith.constant 1 : i32
    scf.for %parallel_loop3A_77 = %parallel_loop3A to %parallel_loop3A_16 step %parallel_loop3A_17  : i32 {
      %parallel_loop3A_78 = arith.constant 16 : i32
      %parallel_loop3A_79 = arith.muli %parallel_loop3A_77, %parallel_loop3A_78 : i32
      %parallel_loop3A_80 = arith.index_cast %parallel_loop3A_79 : i32 to index
      %parallel_loop3A_81 = tpu.vector_load %arg10[%parallel_loop3A_80] {strides = array<i32>} : memref<10000xf32, #tpu.memory_space<vmem>>, vector<16xf32>,
      tpu.vector_store %arg10[%parallel_loop3A_80], %broadcast_in_dim3A_15 {strides = array<i32>} : memref<10000xf32, #tpu.memory_space<vmem>>, vector<16xf32>,
      %parallel_loop3A_82 = arith.constant 16 : i32
      %parallel_loop3A_83 = arith.muli %parallel_loop3A_77, %parallel_loop3A_82 : i32
      %parallel_loop3A_84 = arith.index_cast %parallel_loop3A_83 : i32 to index
      %parallel_loop3A_85 = tpu.vector_load %arg11[%parallel_loop3A_84] {strides = array<i32>} : memref<10000xf32, #tpu.memory_space<vmem>>, vector<16xf32>,
      tpu.vector_store %arg11[%parallel_loop3A_84], %broadcast_in_dim3A_15 {strides = array<i32>} : memref<10000xf32, #tpu.memory_space<vmem>>, vector<16xf32>,
    } {sc.loop_unroll_factor = 5 : i64, sc.parallel_access}
    %scan3A = arith.constant 0 : i32
    %mul3A_18 = arith.constant 1 : i32
    %mul3A_19 = arith.muli %scan3A, %mul3A_18 : i32
    %add3A_20 = arith.constant 0 : i32
    %add3A_21 = arith.addi %add3A_20, %mul3A_19 : i32
    %mul3A_22 = arith.constant 2 : i32
    %mul3A_23 = arith.muli %mul3A_22, %add3A_21 : i32
    %add3A_24 = arith.constant 1 : i32
    %add3A_25 = arith.addi %mul3A_23, %add3A_24 : i32
    %mul3A_26 = arith.constant 14000 : i32
    %mul3A_27 = arith.muli %add3A_25, %mul3A_26 : i32
    %add3A_28 = arith.addi %mul3A_2, %mul3A_27 : i32
    %dma_start3A_29 = tpu.memref_slice %arg2[%add3A_28] : memref<896000xf32, #tpu.memory_space<hbm>> -> memref<14000xf32, #tpu.memory_space<hbm>>
    %dma_start3A_30 = tpu.memref_slice %arg2[%add3A_28] : memref<896000xf32, #tpu.memory_space<hbm>> -> memref<14000xf32, #tpu.memory_space<hbm>>
    tpu.enqueue_dma source(%dma_start3A_30 : memref<14000xf32, #tpu.memory_space<hbm>>) target(%arg8 : memref<14000xf32, #tpu.memory_space<vmem>>) target_semaphore(%arg13 : memref<!tpu.dma_semaphore, #tpu.memory_space<semaphore_mem>>)
    %add3A_31 = arith.constant 0 : i32
    %add3A_32 = arith.addi %add3A_31, %add3A_28 : i32
    %dma_start3A_33 = tpu.memref_slice %arg3[%add3A_32] : memref<3200000xi32, #tpu.memory_space<hbm>> -> memref<14000xi32, #tpu.memory_space<hbm>>
    %dma_start3A_34 = tpu.memref_slice %arg3[%add3A_32] : memref<3200000xi32, #tpu.memory_space<hbm>> -> memref<14000xi32, #tpu.memory_space<hbm>>
    tpu.enqueue_dma source(%dma_start3A_34 : memref<14000xi32, #tpu.memory_space<hbm>>) target(%arg9 : memref<14000xi32, #tpu.memory_space<vmem>>) target_semaphore(%arg13 : memref<!tpu.dma_semaphore, #tpu.memory_space<semaphore_mem>>)
    %dma_wait3A = arith.constant 0 : i32
    %dma_wait3A_35 = tpu.memref_slice %arg2[%dma_wait3A] : memref<896000xf32, #tpu.memory_space<hbm>> -> memref<14000xf32, #tpu.memory_space<hbm>>
    %dma_wait3A_36 = arith.constant 0 : i32
    %dma_wait3A_37 = tpu.memref_slice %arg2[%dma_wait3A_36] : memref<896000xf32, #tpu.memory_space<hbm>> -> memref<14000xf32, #tpu.memory_space<hbm>>
    tpu.wait_dma2 semaphore(%arg12 : memref<!tpu.dma_semaphore, #tpu.memory_space<semaphore_mem>>) src(%dma_wait3A_37 : memref<14000xf32, #tpu.memory_space<hbm>>) dst(%arg6 : memref<14000xf32, #tpu.memory_space<vmem>>)
    %dma_wait3A_38 = arith.constant 0 : i32
    %dma_wait3A_39 = tpu.memref_slice %arg3[%dma_wait3A_38] : memref<3200000xi32, #tpu.memory_space<hbm>> -> memref<14000xi32, #tpu.memory_space<hbm>>
    %dma_wait3A_40 = arith.constant 0 : i32
    %dma_wait3A_41 = tpu.memref_slice %arg3[%dma_wait3A_40] : memref<3200000xi32, #tpu.memory_space<hbm>> -> memref<14000xi32, #tpu.memory_space<hbm>>
    tpu.wait_dma2 semaphore(%arg12 : memref<!tpu.dma_semaphore, #tpu.memory_space<semaphore_mem>>) src(%dma_wait3A_41 : memref<14000xi32, #tpu.memory_space<hbm>>) dst(%arg7 : memref<14000xi32, #tpu.memory_space<vmem>>)
    %parallel_loop3A_42 = arith.constant 0 : i32
    %parallel_loop3A_43 = arith.constant 875 : i32
    %parallel_loop3A_44 = arith.constant 1 : i32
    scf.for %parallel_loop3A_77 = %parallel_loop3A_42 to %parallel_loop3A_43 step %parallel_loop3A_44  : i32 {
      %parallel_loop3A_78 = vector.broadcast %parallel_loop3A_77 : i32 to vector<16xi32>
      %parallel_loop3A_79 = arith.addi %mul3A_6, %parallel_loop3A_78 : vector<16xi32>
      %parallel_loop3A_80 = tpu.vector_load_idx %arg6[%parallel_loop3A_79] : memref<14000xf32, #tpu.memory_space<vmem>>[vector<16xi32>], vector<16xf32>,
      %parallel_loop3A_81 = tpu.vector_load_idx %arg7[%parallel_loop3A_79] : memref<14000xi32, #tpu.memory_space<vmem>>[vector<16xi32>], vector<16xi32>,
      tpu.vector_store_idx %arg10[%parallel_loop3A_81], %parallel_loop3A_80 {add = true} : memref<10000xf32, #tpu.memory_space<vmem>>[vector<16xi32>], vector<16xf32>,
      tpu.vector_store_idx %arg11[%parallel_loop3A_81], %broadcast_in_dim3A_3 {add = true} : memref<10000xf32, #tpu.memory_space<vmem>>[vector<16xi32>], vector<16xf32>,
    } {sc.loop_unroll_factor = 5 : i64, sc.parallel_access}
    %add3A_45 = arith.constant 2 : i32
    %add3A_46 = arith.addi %mul3A_23, %add3A_45 : i32
    %min3A = arith.constant 1 : i32
    %min3A_47 = arith.minsi %add3A_46, %min3A : i32
    %mul3A_48 = arith.constant 14000 : i32
    %mul3A_49 = arith.muli %min3A_47, %mul3A_48 : i32
    %add3A_50 = arith.addi %mul3A_2, %mul3A_49 : i32
    %dma_start3A_51 = tpu.memref_slice %arg2[%add3A_50] : memref<896000xf32, #tpu.memory_space<hbm>> -> memref<14000xf32, #tpu.memory_space<hbm>>
    %dma_start3A_52 = tpu.memref_slice %arg2[%add3A_50] : memref<896000xf32, #tpu.memory_space<hbm>> -> memref<14000xf32, #tpu.memory_space<hbm>>
    tpu.enqueue_dma source(%dma_start3A_52 : memref<14000xf32, #tpu.memory_space<hbm>>) target(%arg6 : memref<14000xf32, #tpu.memory_space<vmem>>) target_semaphore(%arg12 : memref<!tpu.dma_semaphore, #tpu.memory_space<semaphore_mem>>)
    %add3A_53 = arith.constant 0 : i32
    %add3A_54 = arith.addi %add3A_53, %add3A_50 : i32
    %dma_start3A_55 = tpu.memref_slice %arg3[%add3A_54] : memref<3200000xi32, #tpu.memory_space<hbm>> -> memref<14000xi32, #tpu.memory_space<hbm>>
    %dma_start3A_56 = tpu.memref_slice %arg3[%add3A_54] : memref<3200000xi32, #tpu.memory_space<hbm>> -> memref<14000xi32, #tpu.memory_space<hbm>>
    tpu.enqueue_dma source(%dma_start3A_56 : memref<14000xi32, #tpu.memory_space<hbm>>) target(%arg7 : memref<14000xi32, #tpu.memory_space<vmem>>) target_semaphore(%arg12 : memref<!tpu.dma_semaphore, #tpu.memory_space<semaphore_mem>>)
    %dma_wait3A_57 = arith.constant 0 : i32
    %dma_wait3A_58 = tpu.memref_slice %arg2[%dma_wait3A_57] : memref<896000xf32, #tpu.memory_space<hbm>> -> memref<14000xf32, #tpu.memory_space<hbm>>
    %dma_wait3A_59 = arith.constant 0 : i32
    %dma_wait3A_60 = tpu.memref_slice %arg2[%dma_wait3A_59] : memref<896000xf32, #tpu.memory_space<hbm>> -> memref<14000xf32, #tpu.memory_space<hbm>>
    tpu.wait_dma2 semaphore(%arg13 : memref<!tpu.dma_semaphore, #tpu.memory_space<semaphore_mem>>) src(%dma_wait3A_60 : memref<14000xf32, #tpu.memory_space<hbm>>) dst(%arg8 : memref<14000xf32, #tpu.memory_space<vmem>>)
    %dma_wait3A_61 = arith.constant 0 : i32
    %dma_wait3A_62 = tpu.memref_slice %arg3[%dma_wait3A_61] : memref<3200000xi32, #tpu.memory_space<hbm>> -> memref<14000xi32, #tpu.memory_space<hbm>>
    %dma_wait3A_63 = arith.constant 0 : i32
    %dma_wait3A_64 = tpu.memref_slice %arg3[%dma_wait3A_63] : memref<3200000xi32, #tpu.memory_space<hbm>> -> memref<14000xi32, #tpu.memory_space<hbm>>
    tpu.wait_dma2 semaphore(%arg13 : memref<!tpu.dma_semaphore, #tpu.memory_space<semaphore_mem>>) src(%dma_wait3A_64 : memref<14000xi32, #tpu.memory_space<hbm>>) dst(%arg9 : memref<14000xi32, #tpu.memory_space<vmem>>)
    %parallel_loop3A_65 = arith.constant 0 : i32
    %parallel_loop3A_66 = arith.constant 875 : i32
    %parallel_loop3A_67 = arith.constant 1 : i32
    scf.for %parallel_loop3A_77 = %parallel_loop3A_65 to %parallel_loop3A_66 step %parallel_loop3A_67  : i32 {
      %parallel_loop3A_78 = vector.broadcast %parallel_loop3A_77 : i32 to vector<16xi32>
      %parallel_loop3A_79 = arith.addi %mul3A_6, %parallel_loop3A_78 : vector<16xi32>
      %parallel_loop3A_80 = tpu.vector_load_idx %arg8[%parallel_loop3A_79] : memref<14000xf32, #tpu.memory_space<vmem>>[vector<16xi32>], vector<16xf32>,
      %parallel_loop3A_81 = tpu.vector_load_idx %arg9[%parallel_loop3A_79] : memref<14000xi32, #tpu.memory_space<vmem>>[vector<16xi32>], vector<16xi32>,
      tpu.vector_store_idx %arg10[%parallel_loop3A_81], %parallel_loop3A_80 {add = true} : memref<10000xf32, #tpu.memory_space<vmem>>[vector<16xi32>], vector<16xf32>,
      tpu.vector_store_idx %arg11[%parallel_loop3A_81], %broadcast_in_dim3A_3 {add = true} : memref<10000xf32, #tpu.memory_space<vmem>>[vector<16xi32>], vector<16xf32>,
    } {sc.loop_unroll_factor = 5 : i64, sc.parallel_access}
    %scan3A_68 = arith.constant 1 : i32
    %dma_wait3A_69 = arith.constant 0 : i32
    %dma_wait3A_70 = tpu.memref_slice %arg2[%dma_wait3A_69] : memref<896000xf32, #tpu.memory_space<hbm>> -> memref<14000xf32, #tpu.memory_space<hbm>>
    %dma_wait3A_71 = arith.constant 0 : i32
    %dma_wait3A_72 = tpu.memref_slice %arg2[%dma_wait3A_71] : memref<896000xf32, #tpu.memory_space<hbm>> -> memref<14000xf32, #tpu.memory_space<hbm>>
    tpu.wait_dma2 semaphore(%arg12 : memref<!tpu.dma_semaphore, #tpu.memory_space<semaphore_mem>>) src(%dma_wait3A_72 : memref<14000xf32, #tpu.memory_space<hbm>>) dst(%arg6 : memref<14000xf32, #tpu.memory_space<vmem>>)
    %dma_wait3A_73 = arith.constant 0 : i32
    %dma_wait3A_74 = tpu.memref_slice %arg3[%dma_wait3A_73] : memref<3200000xi32, #tpu.memory_space<hbm>> -> memref<14000xi32, #tpu.memory_space<hbm>>
    %dma_wait3A_75 = arith.constant 0 : i32
    %dma_wait3A_76 = tpu.memref_slice %arg3[%dma_wait3A_75] : memref<3200000xi32, #tpu.memory_space<hbm>> -> memref<14000xi32, #tpu.memory_space<hbm>>
    tpu.wait_dma2 semaphore(%arg12 : memref<!tpu.dma_semaphore, #tpu.memory_space<semaphore_mem>>) src(%dma_wait3A_76 : memref<14000xi32, #tpu.memory_space<hbm>>) dst(%arg7 : memref<14000xi32, #tpu.memory_space<vmem>>)
    "tpu.region"() ({
      %run_scoped3A = tpu.sem_alloc : memref<!tpu.dma_semaphore, #tpu.memory_space<semaphore_mem>>
      %dma_start3A_77 = arith.constant 0 : i32
      %dma_start3A_78 = tpu.memref_slice %arg4[%add3A, %dma_start3A_77] : memref<32x10000xf32, #tpu.memory_space<hbm>> -> memref<1x10000xf32, #tpu.memory_space<hbm>>
      %dma_start3A_79 = tpu.memref_squeeze %dma_start3A_78 : memref<1x10000xf32, #tpu.memory_space<hbm>> -> memref<10000xf32, #tpu.memory_space<hbm>>
      %dma_start3A_80 = arith.constant 0 : i32
      %dma_start3A_81 = tpu.memref_slice %arg4[%add3A, %dma_start3A_80] : memref<32x10000xf32, #tpu.memory_space<hbm>> -> memref<1x10000xf32, #tpu.memory_space<hbm>>
      %dma_start3A_82 = tpu.memref_squeeze %dma_start3A_81 : memref<1x10000xf32, #tpu.memory_space<hbm>> -> memref<10000xf32, #tpu.memory_space<hbm>>
      tpu.enqueue_dma source(%arg10 : memref<10000xf32, #tpu.memory_space<vmem>>) target(%dma_start3A_82 : memref<10000xf32, #tpu.memory_space<hbm>>) target_semaphore(%run_scoped3A : memref<!tpu.dma_semaphore, #tpu.memory_space<semaphore_mem>>)
      %dma_wait3A_83 = arith.constant 0 : i32
      %dma_wait3A_84 = tpu.memref_slice %arg4[%add3A, %dma_wait3A_83] : memref<32x10000xf32, #tpu.memory_space<hbm>> -> memref<1x10000xf32, #tpu.memory_space<hbm>>
      %dma_wait3A_85 = tpu.memref_squeeze %dma_wait3A_84 : memref<1x10000xf32, #tpu.memory_space<hbm>> -> memref<10000xf32, #tpu.memory_space<hbm>>
      %dma_wait3A_86 = arith.constant 0 : i32
      %dma_wait3A_87 = tpu.memref_slice %arg4[%add3A, %dma_wait3A_86] : memref<32x10000xf32, #tpu.memory_space<hbm>> -> memref<1x10000xf32, #tpu.memory_space<hbm>>
      %dma_wait3A_88 = tpu.memref_squeeze %dma_wait3A_87 : memref<1x10000xf32, #tpu.memory_space<hbm>> -> memref<10000xf32, #tpu.memory_space<hbm>>
      tpu.wait_dma2 semaphore(%run_scoped3A : memref<!tpu.dma_semaphore, #tpu.memory_space<semaphore_mem>>) src(%arg10 : memref<10000xf32, #tpu.memory_space<vmem>>) dst(%dma_wait3A_88 : memref<10000xf32, #tpu.memory_space<hbm>>)
      tpu.yield
    }) : () -> ()
    "tpu.region"() ({
      %run_scoped3A = tpu.sem_alloc : memref<!tpu.dma_semaphore, #tpu.memory_space<semaphore_mem>>
      %dma_start3A_77 = arith.constant 0 : i32
      %dma_start3A_78 = tpu.memref_slice %arg5[%add3A, %dma_start3A_77] : memref<32x10000xf32, #tpu.memory_space<hbm>> -> memref<1x10000xf32, #tpu.memory_space<hbm>>
      %dma_start3A_79 = tpu.memref_squeeze %dma_start3A_78 : memref<1x10000xf32, #tpu.memory_space<hbm>> -> memref<10000xf32, #tpu.memory_space<hbm>>
      %dma_start3A_80 = arith.constant 0 : i32
      %dma_start3A_81 = tpu.memref_slice %arg5[%add3A, %dma_start3A_80] : memref<32x10000xf32, #tpu.memory_space<hbm>> -> memref<1x10000xf32, #tpu.memory_space<hbm>>
      %dma_start3A_82 = tpu.memref_squeeze %dma_start3A_81 : memref<1x10000xf32, #tpu.memory_space<hbm>> -> memref<10000xf32, #tpu.memory_space<hbm>>
      tpu.enqueue_dma source(%arg11 : memref<10000xf32, #tpu.memory_space<vmem>>) target(%dma_start3A_82 : memref<10000xf32, #tpu.memory_space<hbm>>) target_semaphore(%run_scoped3A : memref<!tpu.dma_semaphore, #tpu.memory_space<semaphore_mem>>)
      %dma_wait3A_83 = arith.constant 0 : i32
      %dma_wait3A_84 = tpu.memref_slice %arg5[%add3A, %dma_wait3A_83] : memref<32x10000xf32, #tpu.memory_space<hbm>> -> memref<1x10000xf32, #tpu.memory_space<hbm>>
      %dma_wait3A_85 = tpu.memref_squeeze %dma_wait3A_84 : memref<1x10000xf32, #tpu.memory_space<hbm>> -> memref<10000xf32, #tpu.memory_space<hbm>>
      %dma_wait3A_86 = arith.constant 0 : i32
      %dma_wait3A_87 = tpu.memref_slice %arg5[%add3A, %dma_wait3A_86] : memref<32x10000xf32, #tpu.memory_space<hbm>> -> memref<1x10000xf32, #tpu.memory_space<hbm>>
      %dma_wait3A_88 = tpu.memref_squeeze %dma_wait3A_87 : memref<1x10000xf32, #tpu.memory_space<hbm>> -> memref<10000xf32, #tpu.memory_space<hbm>>
      tpu.wait_dma2 semaphore(%run_scoped3A : memref<!tpu.dma_semaphore, #tpu.memory_space<semaphore_mem>>) src(%arg11 : memref<10000xf32, #tpu.memory_space<vmem>>) dst(%dma_wait3A_88 : memref<10000xf32, #tpu.memory_space<hbm>>)
      tpu.yield
    }) : () -> ()
    return
  }
}

#map = affine_map<(d0, d1) -> (0)>
#map1 = affine_map<(d0, d1) -> (0, 0)>
module attributes {stable_mosaic.version = 14 : i64} {
  func.func @_sc_partials(%arg0: i32, %arg1: i32, %arg2: memref<1152000xf32, #tpu.memory_space<hbm>>, %arg3: memref<3200000xi32, #tpu.memory_space<hbm>>, %arg4: memref<32x10000xf32, #tpu.memory_space<hbm>>, %arg5: memref<32x10000xf32, #tpu.memory_space<hbm>>, %arg6: memref<18000xf32, #tpu.memory_space<vmem>>, %arg7: memref<18000xi32, #tpu.memory_space<vmem>>, %arg8: memref<18000xf32, #tpu.memory_space<vmem>>, %arg9: memref<18000xi32, #tpu.memory_space<vmem>>, %arg10: memref<10000xf32, #tpu.memory_space<vmem>>, %arg11: memref<10000xf32, #tpu.memory_space<vmem>>, %arg12: memref<!tpu.dma_semaphore, #tpu.memory_space<semaphore_mem>>, %arg13: memref<!tpu.dma_semaphore, #tpu.memory_space<semaphore_mem>>) attributes {dimension_semantics = [#tpu.dimension_semantics<core_parallel>, #tpu.dimension_semantics<subcore_parallel>], iteration_bounds = array<i64: 2, 16>, scalar_prefetch = 0 : i64, scratch_operands = 8 : i64, tpu.core_type = #tpu.core_type<sc_vector_subcore>, window_params = [{transform_indices = #map}, {transform_indices = #map}, {transform_indices = #map1}, {transform_indices = #map1}]} {
    %mul3A = arith.constant 2 : i32
    %mul3A_0 = arith.muli %arg1, %mul3A : i32
    %add3A = arith.addi %mul3A_0, %arg0 : i32
    %mul3A_1 = arith.constant 36000 : i32
    %mul3A_2 = arith.muli %add3A, %mul3A_1 : i32
    %broadcast_in_dim3A = arith.constant 1.000000e+00 : f32
    %broadcast_in_dim3A_3 = vector.broadcast %broadcast_in_dim3A : f32 to vector<16xf32>
    %iota3A = tpu.iota {dimensions = array<i32: 0>} : vector<16xi32>
    %mul3A_4 = arith.constant 1125 : i32
    %mul3A_5 = vector.broadcast %mul3A_4 : i32 to vector<16xi32>
    %mul3A_6 = arith.muli %iota3A, %mul3A_5 : vector<16xi32>
    %add3A_7 = arith.constant 0 : i32
    %add3A_8 = arith.addi %mul3A_2, %add3A_7 : i32
    %dma_start3A = tpu.memref_slice %arg2[%add3A_8] : memref<1152000xf32, #tpu.memory_space<hbm>> -> memref<18000xf32, #tpu.memory_space<hbm>>
    %dma_start3A_9 = tpu.memref_slice %arg2[%add3A_8] : memref<1152000xf32, #tpu.memory_space<hbm>> -> memref<18000xf32, #tpu.memory_space<hbm>>
    tpu.enqueue_dma source(%dma_start3A_9 : memref<18000xf32, #tpu.memory_space<hbm>>) target(%arg6 : memref<18000xf32, #tpu.memory_space<vmem>>) target_semaphore(%arg12 : memref<!tpu.dma_semaphore, #tpu.memory_space<semaphore_mem>>)
    %add3A_10 = arith.constant 896000 : i32
    %add3A_11 = arith.addi %add3A_10, %add3A_8 : i32
    %dma_start3A_12 = tpu.memref_slice %arg3[%add3A_11] : memref<3200000xi32, #tpu.memory_space<hbm>> -> memref<18000xi32, #tpu.memory_space<hbm>>
    %dma_start3A_13 = tpu.memref_slice %arg3[%add3A_11] : memref<3200000xi32, #tpu.memory_space<hbm>> -> memref<18000xi32, #tpu.memory_space<hbm>>
    tpu.enqueue_dma source(%dma_start3A_13 : memref<18000xi32, #tpu.memory_space<hbm>>) target(%arg7 : memref<18000xi32, #tpu.memory_space<vmem>>) target_semaphore(%arg12 : memref<!tpu.dma_semaphore, #tpu.memory_space<semaphore_mem>>)
    %broadcast_in_dim3A_14 = arith.constant 0.000000e+00 : f32
    %broadcast_in_dim3A_15 = vector.broadcast %broadcast_in_dim3A_14 : f32 to vector<16xf32>
    %parallel_loop3A = arith.constant 0 : i32
    %parallel_loop3A_16 = arith.constant 625 : i32
    %parallel_loop3A_17 = arith.constant 1 : i32
    scf.for %parallel_loop3A_77 = %parallel_loop3A to %parallel_loop3A_16 step %parallel_loop3A_17  : i32 {
      %parallel_loop3A_78 = arith.constant 16 : i32
      %parallel_loop3A_79 = arith.muli %parallel_loop3A_77, %parallel_loop3A_78 : i32
      %parallel_loop3A_80 = arith.index_cast %parallel_loop3A_79 : i32 to index
      %parallel_loop3A_81 = tpu.vector_load %arg10[%parallel_loop3A_80] {strides = array<i32>} : memref<10000xf32, #tpu.memory_space<vmem>>, vector<16xf32>,
      tpu.vector_store %arg10[%parallel_loop3A_80], %broadcast_in_dim3A_15 {strides = array<i32>} : memref<10000xf32, #tpu.memory_space<vmem>>, vector<16xf32>,
      %parallel_loop3A_82 = arith.constant 16 : i32
      %parallel_loop3A_83 = arith.muli %parallel_loop3A_77, %parallel_loop3A_82 : i32
      %parallel_loop3A_84 = arith.index_cast %parallel_loop3A_83 : i32 to index
      %parallel_loop3A_85 = tpu.vector_load %arg11[%parallel_loop3A_84] {strides = array<i32>} : memref<10000xf32, #tpu.memory_space<vmem>>, vector<16xf32>,
      tpu.vector_store %arg11[%parallel_loop3A_84], %broadcast_in_dim3A_15 {strides = array<i32>} : memref<10000xf32, #tpu.memory_space<vmem>>, vector<16xf32>,
    } {sc.loop_unroll_factor = 5 : i64, sc.parallel_access}
    %scan3A = arith.constant 0 : i32
    %mul3A_18 = arith.constant 1 : i32
    %mul3A_19 = arith.muli %scan3A, %mul3A_18 : i32
    %add3A_20 = arith.constant 0 : i32
    %add3A_21 = arith.addi %add3A_20, %mul3A_19 : i32
    %mul3A_22 = arith.constant 2 : i32
    %mul3A_23 = arith.muli %mul3A_22, %add3A_21 : i32
    %add3A_24 = arith.constant 1 : i32
    %add3A_25 = arith.addi %mul3A_23, %add3A_24 : i32
    %mul3A_26 = arith.constant 18000 : i32
    %mul3A_27 = arith.muli %add3A_25, %mul3A_26 : i32
    %add3A_28 = arith.addi %mul3A_2, %mul3A_27 : i32
    %dma_start3A_29 = tpu.memref_slice %arg2[%add3A_28] : memref<1152000xf32, #tpu.memory_space<hbm>> -> memref<18000xf32, #tpu.memory_space<hbm>>
    %dma_start3A_30 = tpu.memref_slice %arg2[%add3A_28] : memref<1152000xf32, #tpu.memory_space<hbm>> -> memref<18000xf32, #tpu.memory_space<hbm>>
    tpu.enqueue_dma source(%dma_start3A_30 : memref<18000xf32, #tpu.memory_space<hbm>>) target(%arg8 : memref<18000xf32, #tpu.memory_space<vmem>>) target_semaphore(%arg13 : memref<!tpu.dma_semaphore, #tpu.memory_space<semaphore_mem>>)
    %add3A_31 = arith.constant 896000 : i32
    %add3A_32 = arith.addi %add3A_31, %add3A_28 : i32
    %dma_start3A_33 = tpu.memref_slice %arg3[%add3A_32] : memref<3200000xi32, #tpu.memory_space<hbm>> -> memref<18000xi32, #tpu.memory_space<hbm>>
    %dma_start3A_34 = tpu.memref_slice %arg3[%add3A_32] : memref<3200000xi32, #tpu.memory_space<hbm>> -> memref<18000xi32, #tpu.memory_space<hbm>>
    tpu.enqueue_dma source(%dma_start3A_34 : memref<18000xi32, #tpu.memory_space<hbm>>) target(%arg9 : memref<18000xi32, #tpu.memory_space<vmem>>) target_semaphore(%arg13 : memref<!tpu.dma_semaphore, #tpu.memory_space<semaphore_mem>>)
    %dma_wait3A = arith.constant 0 : i32
    %dma_wait3A_35 = tpu.memref_slice %arg2[%dma_wait3A] : memref<1152000xf32, #tpu.memory_space<hbm>> -> memref<18000xf32, #tpu.memory_space<hbm>>
    %dma_wait3A_36 = arith.constant 0 : i32
    %dma_wait3A_37 = tpu.memref_slice %arg2[%dma_wait3A_36] : memref<1152000xf32, #tpu.memory_space<hbm>> -> memref<18000xf32, #tpu.memory_space<hbm>>
    tpu.wait_dma2 semaphore(%arg12 : memref<!tpu.dma_semaphore, #tpu.memory_space<semaphore_mem>>) src(%dma_wait3A_37 : memref<18000xf32, #tpu.memory_space<hbm>>) dst(%arg6 : memref<18000xf32, #tpu.memory_space<vmem>>)
    %dma_wait3A_38 = arith.constant 0 : i32
    %dma_wait3A_39 = tpu.memref_slice %arg3[%dma_wait3A_38] : memref<3200000xi32, #tpu.memory_space<hbm>> -> memref<18000xi32, #tpu.memory_space<hbm>>
    %dma_wait3A_40 = arith.constant 0 : i32
    %dma_wait3A_41 = tpu.memref_slice %arg3[%dma_wait3A_40] : memref<3200000xi32, #tpu.memory_space<hbm>> -> memref<18000xi32, #tpu.memory_space<hbm>>
    tpu.wait_dma2 semaphore(%arg12 : memref<!tpu.dma_semaphore, #tpu.memory_space<semaphore_mem>>) src(%dma_wait3A_41 : memref<18000xi32, #tpu.memory_space<hbm>>) dst(%arg7 : memref<18000xi32, #tpu.memory_space<vmem>>)
    %parallel_loop3A_42 = arith.constant 0 : i32
    %parallel_loop3A_43 = arith.constant 1125 : i32
    %parallel_loop3A_44 = arith.constant 1 : i32
    scf.for %parallel_loop3A_77 = %parallel_loop3A_42 to %parallel_loop3A_43 step %parallel_loop3A_44  : i32 {
      %parallel_loop3A_78 = vector.broadcast %parallel_loop3A_77 : i32 to vector<16xi32>
      %parallel_loop3A_79 = arith.addi %mul3A_6, %parallel_loop3A_78 : vector<16xi32>
      %parallel_loop3A_80 = tpu.vector_load_idx %arg6[%parallel_loop3A_79] : memref<18000xf32, #tpu.memory_space<vmem>>[vector<16xi32>], vector<16xf32>,
      %parallel_loop3A_81 = tpu.vector_load_idx %arg7[%parallel_loop3A_79] : memref<18000xi32, #tpu.memory_space<vmem>>[vector<16xi32>], vector<16xi32>,
      tpu.vector_store_idx %arg10[%parallel_loop3A_81], %parallel_loop3A_80 {add = true} : memref<10000xf32, #tpu.memory_space<vmem>>[vector<16xi32>], vector<16xf32>,
      tpu.vector_store_idx %arg11[%parallel_loop3A_81], %broadcast_in_dim3A_3 {add = true} : memref<10000xf32, #tpu.memory_space<vmem>>[vector<16xi32>], vector<16xf32>,
    } {sc.loop_unroll_factor = 5 : i64, sc.parallel_access}
    %add3A_45 = arith.constant 2 : i32
    %add3A_46 = arith.addi %mul3A_23, %add3A_45 : i32
    %min3A = arith.constant 1 : i32
    %min3A_47 = arith.minsi %add3A_46, %min3A : i32
    %mul3A_48 = arith.constant 18000 : i32
    %mul3A_49 = arith.muli %min3A_47, %mul3A_48 : i32
    %add3A_50 = arith.addi %mul3A_2, %mul3A_49 : i32
    %dma_start3A_51 = tpu.memref_slice %arg2[%add3A_50] : memref<1152000xf32, #tpu.memory_space<hbm>> -> memref<18000xf32, #tpu.memory_space<hbm>>
    %dma_start3A_52 = tpu.memref_slice %arg2[%add3A_50] : memref<1152000xf32, #tpu.memory_space<hbm>> -> memref<18000xf32, #tpu.memory_space<hbm>>
    tpu.enqueue_dma source(%dma_start3A_52 : memref<18000xf32, #tpu.memory_space<hbm>>) target(%arg6 : memref<18000xf32, #tpu.memory_space<vmem>>) target_semaphore(%arg12 : memref<!tpu.dma_semaphore, #tpu.memory_space<semaphore_mem>>)
    %add3A_53 = arith.constant 896000 : i32
    %add3A_54 = arith.addi %add3A_53, %add3A_50 : i32
    %dma_start3A_55 = tpu.memref_slice %arg3[%add3A_54] : memref<3200000xi32, #tpu.memory_space<hbm>> -> memref<18000xi32, #tpu.memory_space<hbm>>
    %dma_start3A_56 = tpu.memref_slice %arg3[%add3A_54] : memref<3200000xi32, #tpu.memory_space<hbm>> -> memref<18000xi32, #tpu.memory_space<hbm>>
    tpu.enqueue_dma source(%dma_start3A_56 : memref<18000xi32, #tpu.memory_space<hbm>>) target(%arg7 : memref<18000xi32, #tpu.memory_space<vmem>>) target_semaphore(%arg12 : memref<!tpu.dma_semaphore, #tpu.memory_space<semaphore_mem>>)
    %dma_wait3A_57 = arith.constant 0 : i32
    %dma_wait3A_58 = tpu.memref_slice %arg2[%dma_wait3A_57] : memref<1152000xf32, #tpu.memory_space<hbm>> -> memref<18000xf32, #tpu.memory_space<hbm>>
    %dma_wait3A_59 = arith.constant 0 : i32
    %dma_wait3A_60 = tpu.memref_slice %arg2[%dma_wait3A_59] : memref<1152000xf32, #tpu.memory_space<hbm>> -> memref<18000xf32, #tpu.memory_space<hbm>>
    tpu.wait_dma2 semaphore(%arg13 : memref<!tpu.dma_semaphore, #tpu.memory_space<semaphore_mem>>) src(%dma_wait3A_60 : memref<18000xf32, #tpu.memory_space<hbm>>) dst(%arg8 : memref<18000xf32, #tpu.memory_space<vmem>>)
    %dma_wait3A_61 = arith.constant 0 : i32
    %dma_wait3A_62 = tpu.memref_slice %arg3[%dma_wait3A_61] : memref<3200000xi32, #tpu.memory_space<hbm>> -> memref<18000xi32, #tpu.memory_space<hbm>>
    %dma_wait3A_63 = arith.constant 0 : i32
    %dma_wait3A_64 = tpu.memref_slice %arg3[%dma_wait3A_63] : memref<3200000xi32, #tpu.memory_space<hbm>> -> memref<18000xi32, #tpu.memory_space<hbm>>
    tpu.wait_dma2 semaphore(%arg13 : memref<!tpu.dma_semaphore, #tpu.memory_space<semaphore_mem>>) src(%dma_wait3A_64 : memref<18000xi32, #tpu.memory_space<hbm>>) dst(%arg9 : memref<18000xi32, #tpu.memory_space<vmem>>)
    %parallel_loop3A_65 = arith.constant 0 : i32
    %parallel_loop3A_66 = arith.constant 1125 : i32
    %parallel_loop3A_67 = arith.constant 1 : i32
    scf.for %parallel_loop3A_77 = %parallel_loop3A_65 to %parallel_loop3A_66 step %parallel_loop3A_67  : i32 {
      %parallel_loop3A_78 = vector.broadcast %parallel_loop3A_77 : i32 to vector<16xi32>
      %parallel_loop3A_79 = arith.addi %mul3A_6, %parallel_loop3A_78 : vector<16xi32>
      %parallel_loop3A_80 = tpu.vector_load_idx %arg8[%parallel_loop3A_79] : memref<18000xf32, #tpu.memory_space<vmem>>[vector<16xi32>], vector<16xf32>,
      %parallel_loop3A_81 = tpu.vector_load_idx %arg9[%parallel_loop3A_79] : memref<18000xi32, #tpu.memory_space<vmem>>[vector<16xi32>], vector<16xi32>,
      tpu.vector_store_idx %arg10[%parallel_loop3A_81], %parallel_loop3A_80 {add = true} : memref<10000xf32, #tpu.memory_space<vmem>>[vector<16xi32>], vector<16xf32>,
      tpu.vector_store_idx %arg11[%parallel_loop3A_81], %broadcast_in_dim3A_3 {add = true} : memref<10000xf32, #tpu.memory_space<vmem>>[vector<16xi32>], vector<16xf32>,
    } {sc.loop_unroll_factor = 5 : i64, sc.parallel_access}
    %scan3A_68 = arith.constant 1 : i32
    %dma_wait3A_69 = arith.constant 0 : i32
    %dma_wait3A_70 = tpu.memref_slice %arg2[%dma_wait3A_69] : memref<1152000xf32, #tpu.memory_space<hbm>> -> memref<18000xf32, #tpu.memory_space<hbm>>
    %dma_wait3A_71 = arith.constant 0 : i32
    %dma_wait3A_72 = tpu.memref_slice %arg2[%dma_wait3A_71] : memref<1152000xf32, #tpu.memory_space<hbm>> -> memref<18000xf32, #tpu.memory_space<hbm>>
    tpu.wait_dma2 semaphore(%arg12 : memref<!tpu.dma_semaphore, #tpu.memory_space<semaphore_mem>>) src(%dma_wait3A_72 : memref<18000xf32, #tpu.memory_space<hbm>>) dst(%arg6 : memref<18000xf32, #tpu.memory_space<vmem>>)
    %dma_wait3A_73 = arith.constant 0 : i32
    %dma_wait3A_74 = tpu.memref_slice %arg3[%dma_wait3A_73] : memref<3200000xi32, #tpu.memory_space<hbm>> -> memref<18000xi32, #tpu.memory_space<hbm>>
    %dma_wait3A_75 = arith.constant 0 : i32
    %dma_wait3A_76 = tpu.memref_slice %arg3[%dma_wait3A_75] : memref<3200000xi32, #tpu.memory_space<hbm>> -> memref<18000xi32, #tpu.memory_space<hbm>>
    tpu.wait_dma2 semaphore(%arg12 : memref<!tpu.dma_semaphore, #tpu.memory_space<semaphore_mem>>) src(%dma_wait3A_76 : memref<18000xi32, #tpu.memory_space<hbm>>) dst(%arg7 : memref<18000xi32, #tpu.memory_space<vmem>>)
    "tpu.region"() ({
      %run_scoped3A = tpu.sem_alloc : memref<!tpu.dma_semaphore, #tpu.memory_space<semaphore_mem>>
      %dma_start3A_77 = arith.constant 0 : i32
      %dma_start3A_78 = tpu.memref_slice %arg4[%add3A, %dma_start3A_77] : memref<32x10000xf32, #tpu.memory_space<hbm>> -> memref<1x10000xf32, #tpu.memory_space<hbm>>
      %dma_start3A_79 = tpu.memref_squeeze %dma_start3A_78 : memref<1x10000xf32, #tpu.memory_space<hbm>> -> memref<10000xf32, #tpu.memory_space<hbm>>
      %dma_start3A_80 = arith.constant 0 : i32
      %dma_start3A_81 = tpu.memref_slice %arg4[%add3A, %dma_start3A_80] : memref<32x10000xf32, #tpu.memory_space<hbm>> -> memref<1x10000xf32, #tpu.memory_space<hbm>>
      %dma_start3A_82 = tpu.memref_squeeze %dma_start3A_81 : memref<1x10000xf32, #tpu.memory_space<hbm>> -> memref<10000xf32, #tpu.memory_space<hbm>>
      tpu.enqueue_dma source(%arg10 : memref<10000xf32, #tpu.memory_space<vmem>>) target(%dma_start3A_82 : memref<10000xf32, #tpu.memory_space<hbm>>) target_semaphore(%run_scoped3A : memref<!tpu.dma_semaphore, #tpu.memory_space<semaphore_mem>>)
      %dma_wait3A_83 = arith.constant 0 : i32
      %dma_wait3A_84 = tpu.memref_slice %arg4[%add3A, %dma_wait3A_83] : memref<32x10000xf32, #tpu.memory_space<hbm>> -> memref<1x10000xf32, #tpu.memory_space<hbm>>
      %dma_wait3A_85 = tpu.memref_squeeze %dma_wait3A_84 : memref<1x10000xf32, #tpu.memory_space<hbm>> -> memref<10000xf32, #tpu.memory_space<hbm>>
      %dma_wait3A_86 = arith.constant 0 : i32
      %dma_wait3A_87 = tpu.memref_slice %arg4[%add3A, %dma_wait3A_86] : memref<32x10000xf32, #tpu.memory_space<hbm>> -> memref<1x10000xf32, #tpu.memory_space<hbm>>
      %dma_wait3A_88 = tpu.memref_squeeze %dma_wait3A_87 : memref<1x10000xf32, #tpu.memory_space<hbm>> -> memref<10000xf32, #tpu.memory_space<hbm>>
      tpu.wait_dma2 semaphore(%run_scoped3A : memref<!tpu.dma_semaphore, #tpu.memory_space<semaphore_mem>>) src(%arg10 : memref<10000xf32, #tpu.memory_space<vmem>>) dst(%dma_wait3A_88 : memref<10000xf32, #tpu.memory_space<hbm>>)
      tpu.yield
    }) : () -> ()
    "tpu.region"() ({
      %run_scoped3A = tpu.sem_alloc : memref<!tpu.dma_semaphore, #tpu.memory_space<semaphore_mem>>
      %dma_start3A_77 = arith.constant 0 : i32
      %dma_start3A_78 = tpu.memref_slice %arg5[%add3A, %dma_start3A_77] : memref<32x10000xf32, #tpu.memory_space<hbm>> -> memref<1x10000xf32, #tpu.memory_space<hbm>>
      %dma_start3A_79 = tpu.memref_squeeze %dma_start3A_78 : memref<1x10000xf32, #tpu.memory_space<hbm>> -> memref<10000xf32, #tpu.memory_space<hbm>>
      %dma_start3A_80 = arith.constant 0 : i32
      %dma_start3A_81 = tpu.memref_slice %arg5[%add3A, %dma_start3A_80] : memref<32x10000xf32, #tpu.memory_space<hbm>> -> memref<1x10000xf32, #tpu.memory_space<hbm>>
      %dma_start3A_82 = tpu.memref_squeeze %dma_start3A_81 : memref<1x10000xf32, #tpu.memory_space<hbm>> -> memref<10000xf32, #tpu.memory_space<hbm>>
      tpu.enqueue_dma source(%arg11 : memref<10000xf32, #tpu.memory_space<vmem>>) target(%dma_start3A_82 : memref<10000xf32, #tpu.memory_space<hbm>>) target_semaphore(%run_scoped3A : memref<!tpu.dma_semaphore, #tpu.memory_space<semaphore_mem>>)
      %dma_wait3A_83 = arith.constant 0 : i32
      %dma_wait3A_84 = tpu.memref_slice %arg5[%add3A, %dma_wait3A_83] : memref<32x10000xf32, #tpu.memory_space<hbm>> -> memref<1x10000xf32, #tpu.memory_space<hbm>>
      %dma_wait3A_85 = tpu.memref_squeeze %dma_wait3A_84 : memref<1x10000xf32, #tpu.memory_space<hbm>> -> memref<10000xf32, #tpu.memory_space<hbm>>
      %dma_wait3A_86 = arith.constant 0 : i32
      %dma_wait3A_87 = tpu.memref_slice %arg5[%add3A, %dma_wait3A_86] : memref<32x10000xf32, #tpu.memory_space<hbm>> -> memref<1x10000xf32, #tpu.memory_space<hbm>>
      %dma_wait3A_88 = tpu.memref_squeeze %dma_wait3A_87 : memref<1x10000xf32, #tpu.memory_space<hbm>> -> memref<10000xf32, #tpu.memory_space<hbm>>
      tpu.wait_dma2 semaphore(%run_scoped3A : memref<!tpu.dma_semaphore, #tpu.memory_space<semaphore_mem>>) src(%arg11 : memref<10000xf32, #tpu.memory_space<vmem>>) dst(%dma_wait3A_88 : memref<10000xf32, #tpu.memory_space<hbm>>)
      tpu.yield
    }) : () -> ()
    return
  }
}

module attributes {stable_mosaic.version = 14 : i64} {
  func.func @_ce_body(%arg0: i32, %arg1: memref<5x128000xf32, #tpu.memory_space<vmem>>, %arg2: memref<128000xi32, #tpu.memory_space<vmem>>, %arg3: memref<128000xf32, #tpu.memory_space<vmem>>) attributes {dimension_semantics = [#tpu.dimension_semantics<arbitrary>], iteration_bounds = array<i64: 9>, scalar_prefetch = 0 : i64, scratch_operands = 0 : i64, tpu.core_type = #tpu.core_type<tc>, window_params = [{transform_indices = @transform_0, window_bounds = array<i64: 5, 128000>}, {transform_indices = @transform_1, window_bounds = array<i64: 128000>}, {transform_indices = @transform_2, window_bounds = array<i64: 128000>}]} {
    %get3A = arith.constant 0 : index
    %get3A_0 = arith.constant 0 : index
    %get3A_1 = vector.load %arg1[%get3A, %get3A_0] : memref<5x128000xf32, #tpu.memory_space<vmem>>, vector<5x128000xf32>
    %exp3A = math.exp %get3A_1 : vector<5x128000xf32>
    %get3A_2 = arith.constant 0 : index
    %get3A_3 = vector.load %arg2[%get3A_2] : memref<128000xi32, #tpu.memory_space<vmem>>, vector<128000xi32>
    %iota3A = tpu.iota {dimensions = array<i32: 0>} : vector<5x128000xi32>
    %broadcast_in_dim3A = vector.shape_cast %get3A_3 : vector<128000xi32> to vector<1x128000xi32>
    %eq3A = vector.broadcast %broadcast_in_dim3A : vector<1x128000xi32> to vector<5x128000xi32>
    %eq3A_4 = arith.cmpi eq, %iota3A, %eq3A : vector<5x128000xi32>
    %jit3A = arith.constant 0.000000e+00 : f32
    %broadcast_in_dim3A_5 = vector.broadcast %jit3A : f32 to vector<5x128000xf32>
    %select_n3A = arith.select %eq3A_4, %get3A_1, %broadcast_in_dim3A_5 : vector<5x128000xi1>, vector<5x128000xf32>
    %broadcast_in_dim3A_6 = arith.constant 1.000000e+00 : f32
    %broadcast_in_dim3A_7 = vector.broadcast %broadcast_in_dim3A_6 : f32 to vector<1x5xf32>
    %dot_general3A = arith.constant dense<0.000000e+00> : vector<1x128000xf32>
    %dot_general3A_8 = tpu.matmul %broadcast_in_dim3A_7, %exp3A, %dot_general3A {dimension_numbers = #tpu.dot_dimension_numbers<[1], [0], [0], [1], [0, 0, 1, 1], [], []>, transpose_lhs_hint = false} : vector<1x5xf32>, vector<5x128000xf32>, vector<1x128000xf32> -> vector<1x128000xf32>
    %dot_general3A_9 = arith.constant dense<0.000000e+00> : vector<1x128000xf32>
    %dot_general3A_10 = tpu.matmul %broadcast_in_dim3A_7, %select_n3A, %dot_general3A_9 {dimension_numbers = #tpu.dot_dimension_numbers<[1], [0], [0], [1], [0, 0, 1, 1], [], []>, transpose_lhs_hint = false} : vector<1x5xf32>, vector<5x128000xf32>, vector<1x128000xf32> -> vector<1x128000xf32>
    %log3A = math.log %dot_general3A_8 : vector<1x128000xf32>
    %sub3A = arith.subf %log3A, %dot_general3A_10 : vector<1x128000xf32>
    %squeeze3A = vector.shape_cast %sub3A : vector<1x128000xf32> to vector<128000xf32>
    %swap3A = arith.constant 0 : index
    %swap3A_11 = vector.load %arg3[%swap3A] : memref<128000xf32, #tpu.memory_space<vmem>>, vector<128000xf32>
    tpu.vector_store %arg3[%swap3A], %squeeze3A {strides = array<i32>} : memref<128000xf32, #tpu.memory_space<vmem>>, vector<128000xf32>,
    return
  }
  func.func @transform_0(%arg0: i32) -> (i32, i32) {
    %add3A = arith.constant 7 : i32
    %add3A_0 = arith.addi %arg0, %add3A : i32
    %c0_i32 = arith.constant 0 : i32
    %c0_i32_1 = arith.constant 0 : i32
    return %c0_i32, %add3A_0 : i32, i32
  }
  func.func @transform_1(%arg0: i32) -> i32 {
    %add3A = arith.constant 7 : i32
    %add3A_0 = arith.addi %arg0, %add3A : i32
    %c0_i32 = arith.constant 0 : i32
    return %add3A_0 : i32
  }
  func.func @transform_2(%arg0: i32) -> i32 {
    %c0_i32 = arith.constant 0 : i32
    return %arg0 : i32
  }
}

module attributes {stable_mosaic.version = 14 : i64} {
  func.func @_ce_body(%arg0: i32, %arg1: memref<5x128000xf32, #tpu.memory_space<vmem>>, %arg2: memref<128000xi32, #tpu.memory_space<vmem>>, %arg3: memref<128000xf32, #tpu.memory_space<vmem>>) attributes {dimension_semantics = [#tpu.dimension_semantics<arbitrary>], iteration_bounds = array<i64: 9>, scalar_prefetch = 0 : i64, scratch_operands = 0 : i64, tpu.core_type = #tpu.core_type<tc>, window_params = [{transform_indices = @transform_0, window_bounds = array<i64: 5, 128000>}, {transform_indices = @transform_1, window_bounds = array<i64: 128000>}, {transform_indices = @transform_2, window_bounds = array<i64: 128000>}]} {
    %get3A = arith.constant 0 : index
    %get3A_0 = arith.constant 0 : index
    %get3A_1 = vector.load %arg1[%get3A, %get3A_0] : memref<5x128000xf32, #tpu.memory_space<vmem>>, vector<5x128000xf32>
    %exp3A = math.exp %get3A_1 : vector<5x128000xf32>
    %get3A_2 = arith.constant 0 : index
    %get3A_3 = vector.load %arg2[%get3A_2] : memref<128000xi32, #tpu.memory_space<vmem>>, vector<128000xi32>
    %iota3A = tpu.iota {dimensions = array<i32: 0>} : vector<5x128000xi32>
    %broadcast_in_dim3A = vector.shape_cast %get3A_3 : vector<128000xi32> to vector<1x128000xi32>
    %eq3A = vector.broadcast %broadcast_in_dim3A : vector<1x128000xi32> to vector<5x128000xi32>
    %eq3A_4 = arith.cmpi eq, %iota3A, %eq3A : vector<5x128000xi32>
    %jit3A = arith.constant 0.000000e+00 : f32
    %broadcast_in_dim3A_5 = vector.broadcast %jit3A : f32 to vector<5x128000xf32>
    %select_n3A = arith.select %eq3A_4, %get3A_1, %broadcast_in_dim3A_5 : vector<5x128000xi1>, vector<5x128000xf32>
    %broadcast_in_dim3A_6 = arith.constant 1.000000e+00 : f32
    %broadcast_in_dim3A_7 = vector.broadcast %broadcast_in_dim3A_6 : f32 to vector<1x5xf32>
    %dot_general3A = arith.constant dense<0.000000e+00> : vector<1x128000xf32>
    %dot_general3A_8 = tpu.matmul %broadcast_in_dim3A_7, %exp3A, %dot_general3A {dimension_numbers = #tpu.dot_dimension_numbers<[1], [0], [0], [1], [0, 0, 1, 1], [], []>, transpose_lhs_hint = false} : vector<1x5xf32>, vector<5x128000xf32>, vector<1x128000xf32> -> vector<1x128000xf32>
    %dot_general3A_9 = arith.constant dense<0.000000e+00> : vector<1x128000xf32>
    %dot_general3A_10 = tpu.matmul %broadcast_in_dim3A_7, %select_n3A, %dot_general3A_9 {dimension_numbers = #tpu.dot_dimension_numbers<[1], [0], [0], [1], [0, 0, 1, 1], [], []>, transpose_lhs_hint = false} : vector<1x5xf32>, vector<5x128000xf32>, vector<1x128000xf32> -> vector<1x128000xf32>
    %log3A = math.log %dot_general3A_8 : vector<1x128000xf32>
    %sub3A = arith.subf %log3A, %dot_general3A_10 : vector<1x128000xf32>
    %squeeze3A = vector.shape_cast %sub3A : vector<1x128000xf32> to vector<128000xf32>
    %swap3A = arith.constant 0 : index
    %swap3A_11 = vector.load %arg3[%swap3A] : memref<128000xf32, #tpu.memory_space<vmem>>, vector<128000xf32>
    tpu.vector_store %arg3[%swap3A], %squeeze3A {strides = array<i32>} : memref<128000xf32, #tpu.memory_space<vmem>>, vector<128000xf32>,
    return
  }
  func.func @transform_0(%arg0: i32) -> (i32, i32) {
    %add3A = arith.constant 16 : i32
    %add3A_0 = arith.addi %arg0, %add3A : i32
    %c0_i32 = arith.constant 0 : i32
    %c0_i32_1 = arith.constant 0 : i32
    return %c0_i32, %add3A_0 : i32, i32
  }
  func.func @transform_1(%arg0: i32) -> i32 {
    %add3A = arith.constant 16 : i32
    %add3A_0 = arith.addi %arg0, %add3A : i32
    %c0_i32 = arith.constant 0 : i32
    return %add3A_0 : i32
  }
  func.func @transform_2(%arg0: i32) -> i32 {
    %c0_i32 = arith.constant 0 : i32
    return %arg0 : i32
  }
}

module attributes {stable_mosaic.version = 14 : i64} {
  func.func @_tc_combine_body(%arg0: memref<32x10000xf32, #tpu.memory_space<vmem>>, %arg1: memref<32x10000xf32, #tpu.memory_space<vmem>>, %arg2: memref<32x10000xf32, #tpu.memory_space<vmem>>, %arg3: memref<32x10000xf32, #tpu.memory_space<vmem>>, %arg4: memref<32x10000xf32, #tpu.memory_space<vmem>>, %arg5: memref<32x10000xf32, #tpu.memory_space<vmem>>, %arg6: memref<10000xf32, #tpu.memory_space<vmem>>) attributes {dimension_semantics = [], scalar_prefetch = 0 : i64, scratch_operands = 0 : i64, tpu.core_type = #tpu.core_type<tc>} {
    %get3A = arith.constant 0 : index
    %get3A_0 = arith.constant 0 : index
    %get3A_1 = vector.load %arg0[%get3A, %get3A_0] : memref<32x10000xf32, #tpu.memory_space<vmem>>, vector<32x10000xf32>
    %reduce_sum3A = arith.constant dense<0.000000e+00> : vector<10000xf32>
    %reduce_sum3A_2 = vector.multi_reduction <add>, %get3A_1, %reduce_sum3A [0] : vector<32x10000xf32> to vector<10000xf32>
    %get3A_3 = arith.constant 0 : index
    %get3A_4 = arith.constant 0 : index
    %get3A_5 = vector.load %arg2[%get3A_3, %get3A_4] : memref<32x10000xf32, #tpu.memory_space<vmem>>, vector<32x10000xf32>
    %reduce_sum3A_6 = arith.constant dense<0.000000e+00> : vector<10000xf32>
    %reduce_sum3A_7 = vector.multi_reduction <add>, %get3A_5, %reduce_sum3A_6 [0] : vector<32x10000xf32> to vector<10000xf32>
    %add3A = arith.addf %reduce_sum3A_2, %reduce_sum3A_7 : vector<10000xf32>
    %get3A_8 = arith.constant 0 : index
    %get3A_9 = arith.constant 0 : index
    %get3A_10 = vector.load %arg4[%get3A_8, %get3A_9] : memref<32x10000xf32, #tpu.memory_space<vmem>>, vector<32x10000xf32>
    %reduce_sum3A_11 = arith.constant dense<0.000000e+00> : vector<10000xf32>
    %reduce_sum3A_12 = vector.multi_reduction <add>, %get3A_10, %reduce_sum3A_11 [0] : vector<32x10000xf32> to vector<10000xf32>
    %add3A_13 = arith.addf %add3A, %reduce_sum3A_12 : vector<10000xf32>
    %get3A_14 = arith.constant 0 : index
    %get3A_15 = arith.constant 0 : index
    %get3A_16 = vector.load %arg1[%get3A_14, %get3A_15] : memref<32x10000xf32, #tpu.memory_space<vmem>>, vector<32x10000xf32>
    %reduce_sum3A_17 = arith.constant dense<0.000000e+00> : vector<10000xf32>
    %reduce_sum3A_18 = vector.multi_reduction <add>, %get3A_16, %reduce_sum3A_17 [0] : vector<32x10000xf32> to vector<10000xf32>
    %get3A_19 = arith.constant 0 : index
    %get3A_20 = arith.constant 0 : index
    %get3A_21 = vector.load %arg3[%get3A_19, %get3A_20] : memref<32x10000xf32, #tpu.memory_space<vmem>>, vector<32x10000xf32>
    %reduce_sum3A_22 = arith.constant dense<0.000000e+00> : vector<10000xf32>
    %reduce_sum3A_23 = vector.multi_reduction <add>, %get3A_21, %reduce_sum3A_22 [0] : vector<32x10000xf32> to vector<10000xf32>
    %add3A_24 = arith.addf %reduce_sum3A_18, %reduce_sum3A_23 : vector<10000xf32>
    %get3A_25 = arith.constant 0 : index
    %get3A_26 = arith.constant 0 : index
    %get3A_27 = vector.load %arg5[%get3A_25, %get3A_26] : memref<32x10000xf32, #tpu.memory_space<vmem>>, vector<32x10000xf32>
    %reduce_sum3A_28 = arith.constant dense<0.000000e+00> : vector<10000xf32>
    %reduce_sum3A_29 = vector.multi_reduction <add>, %get3A_27, %reduce_sum3A_28 [0] : vector<32x10000xf32> to vector<10000xf32>
    %add3A_30 = arith.addf %add3A_24, %reduce_sum3A_29 : vector<10000xf32>
    %div3A = arith.divf %add3A_13, %add3A_30 : vector<10000xf32>
    %swap3A = arith.constant 0 : index
    %swap3A_31 = vector.load %arg6[%swap3A] : memref<10000xf32, #tpu.memory_space<vmem>>, vector<10000xf32>
    tpu.vector_store %arg6[%swap3A], %div3A {strides = array<i32>} : memref<10000xf32, #tpu.memory_space<vmem>>, vector<10000xf32>,
    return
  }
}

module attributes {stable_mosaic.version = 14 : i64} {
  func.func @_ce_body(%arg0: i32, %arg1: memref<5x128000xf32, #tpu.memory_space<vmem>>, %arg2: memref<128000xi32, #tpu.memory_space<vmem>>, %arg3: memref<128000xf32, #tpu.memory_space<vmem>>) attributes {dimension_semantics = [#tpu.dimension_semantics<arbitrary>], iteration_bounds = array<i64: 7>, scalar_prefetch = 0 : i64, scratch_operands = 0 : i64, tpu.core_type = #tpu.core_type<tc>, window_params = [{transform_indices = @transform_0, window_bounds = array<i64: 5, 128000>}, {transform_indices = @transform_1, window_bounds = array<i64: 128000>}, {transform_indices = @transform_2, window_bounds = array<i64: 128000>}]} {
    %get3A = arith.constant 0 : index
    %get3A_0 = arith.constant 0 : index
    %get3A_1 = vector.load %arg1[%get3A, %get3A_0] : memref<5x128000xf32, #tpu.memory_space<vmem>>, vector<5x128000xf32>
    %exp3A = math.exp %get3A_1 : vector<5x128000xf32>
    %get3A_2 = arith.constant 0 : index
    %get3A_3 = vector.load %arg2[%get3A_2] : memref<128000xi32, #tpu.memory_space<vmem>>, vector<128000xi32>
    %iota3A = tpu.iota {dimensions = array<i32: 0>} : vector<5x128000xi32>
    %broadcast_in_dim3A = vector.shape_cast %get3A_3 : vector<128000xi32> to vector<1x128000xi32>
    %eq3A = vector.broadcast %broadcast_in_dim3A : vector<1x128000xi32> to vector<5x128000xi32>
    %eq3A_4 = arith.cmpi eq, %iota3A, %eq3A : vector<5x128000xi32>
    %jit3A = arith.constant 0.000000e+00 : f32
    %broadcast_in_dim3A_5 = vector.broadcast %jit3A : f32 to vector<5x128000xf32>
    %select_n3A = arith.select %eq3A_4, %get3A_1, %broadcast_in_dim3A_5 : vector<5x128000xi1>, vector<5x128000xf32>
    %broadcast_in_dim3A_6 = arith.constant 1.000000e+00 : f32
    %broadcast_in_dim3A_7 = vector.broadcast %broadcast_in_dim3A_6 : f32 to vector<1x5xf32>
    %dot_general3A = arith.constant dense<0.000000e+00> : vector<1x128000xf32>
    %dot_general3A_8 = tpu.matmul %broadcast_in_dim3A_7, %exp3A, %dot_general3A {dimension_numbers = #tpu.dot_dimension_numbers<[1], [0], [0], [1], [0, 0, 1, 1], [], []>, transpose_lhs_hint = false} : vector<1x5xf32>, vector<5x128000xf32>, vector<1x128000xf32> -> vector<1x128000xf32>
    %dot_general3A_9 = arith.constant dense<0.000000e+00> : vector<1x128000xf32>
    %dot_general3A_10 = tpu.matmul %broadcast_in_dim3A_7, %select_n3A, %dot_general3A_9 {dimension_numbers = #tpu.dot_dimension_numbers<[1], [0], [0], [1], [0, 0, 1, 1], [], []>, transpose_lhs_hint = false} : vector<1x5xf32>, vector<5x128000xf32>, vector<1x128000xf32> -> vector<1x128000xf32>
    %log3A = math.log %dot_general3A_8 : vector<1x128000xf32>
    %sub3A = arith.subf %log3A, %dot_general3A_10 : vector<1x128000xf32>
    %squeeze3A = vector.shape_cast %sub3A : vector<1x128000xf32> to vector<128000xf32>
    %swap3A = arith.constant 0 : index
    %swap3A_11 = vector.load %arg3[%swap3A] : memref<128000xf32, #tpu.memory_space<vmem>>, vector<128000xf32>
    tpu.vector_store %arg3[%swap3A], %squeeze3A {strides = array<i32>} : memref<128000xf32, #tpu.memory_space<vmem>>, vector<128000xf32>,
    return
  }
  func.func @transform_0(%arg0: i32) -> (i32, i32) {
    %add3A = arith.constant 0 : i32
    %add3A_0 = arith.addi %arg0, %add3A : i32
    %c0_i32 = arith.constant 0 : i32
    %c0_i32_1 = arith.constant 0 : i32
    return %c0_i32, %add3A_0 : i32, i32
  }
  func.func @transform_1(%arg0: i32) -> i32 {
    %add3A = arith.constant 0 : i32
    %add3A_0 = arith.addi %arg0, %add3A : i32
    %c0_i32 = arith.constant 0 : i32
    return %add3A_0 : i32
  }
  func.func @transform_2(%arg0: i32) -> i32 {
    %c0_i32 = arith.constant 0 : i32
    return %arg0 : i32
  }
}

</mosaic_0001>

<sc_bundles>
// kernel: kernel.12.cloned.1.call-start
scs
__scs_entry_jumppad:
0x0: {  	(pc) =	sbr.rel $0x88, $3  }
0x1: {  	(tag) =	ssettag $0x0;
	lr =	simm.s32 $0x1  }
0x2: {  	[smem:$0x3F9E] =	sst lr;
	_ =	strace $0xD0000000  }
0x3: {  	_ = 	snop  }
0x4: {  	_ = 	snop  }
0x5: {  	_ = 	snop  }
0x6: {  	_ = 	snop  }
0x7: {  	_ = 	snop  }
__scs_overlays_trampoline_lowered:
0x8: {  	[smem:$0x3FAD] =	sst s0  }
0x9: {  	[smem:$0x3FAE] =	sst s1  }
0xa: {  	[smem:$0x3FAF] =	sst s2  }
0xb: {  	[smem:$0x3FB0] =	sst s3  }
0xc: {  	[smem:$0x3FB1] =	sst s4  }
0xd: {  	[smem:$0x3FB2] =	sst s5  }
0xe: {  	[smem:$0x3FB3] =	sst s6  }
0xf: {  	[smem:$0x3FB4] =	sst s7  }
0x10: {  	[smem:$0x3FB5] =	sst s8  }
0x11: {  	[smem:$0x3FB6] =	sst s9;
	s0 =	simm.s32 @!p0 $0x0  }
0x12: {  	s1 =	sld [smem:$0x3F9C];
	s0 =	simm.s32 @p0 $0x1  }
0x13: {  	[smem:$0x3FB7] =	sst s0;
	s0 =	simm.s32 @!p1 $0x0  }
0x14: {  	s2 =	sld [smem:$0x3F9B];
	s0 =	simm.s32 @p1 $0x1  }
0x15: {  	[smem:$0x3FB8] =	sst s0;
	s0 =	simm.s32 @!p2 $0x0  }
0x16: {  	s3 =	sld [smem:$0x3FDB];
	s0 =	simm.s32 @p2 $0x1  }
0x17: {  	s4 =	simm.s32 $0x1BF5;
	[smem:$0x3FBA] =	sst s0  }
0x18: {  	s0 =	sld [smem:$0x3F9D];
	_ =	swait.ge [sflag:s4], $0x0  }
0x19: {  	s7 =	sld [smem:$0x3F9E]  }
0x1a: {  	s8 =	sadd.s32 $0xFFFFE003, lr  }
0x1b: {  	s9 =	sadd.s32 $0xFFFFFEF7, lr;
	s5 =	simm.s32 $0xFFFFFFFF;
	p2 =	slt.u32 s8, $0xFFFFF086  }
0x1c: {  	p1 =	slt.u32 s9, $0xF7A;
	s5 =	simm.s32 @!p2 $0x0  }
0x1d: {  	s5 =	simm.s32 @p1 $0x1;
	p0 =	seq.s32 s7, s2  }
0x1e: {  	s7 =	smul.u32 @!p0 $0xF7A, s2;
	p2 =	seq.s32 @!p0 s5, $0x0  }
0x1f: {  	s9 =	smul.u32 $0xF7A, s1;
	s8 =	simm.s32 @!p0 $0x1BF5;
	p2 =	por !p2, p0  }
0x20: {  	[sflag:s8] =	ssyncset.s32 @!p0 $0xFFFFF086;
	s6 =	sadd.s32 @!p0 s3, s7;
	s7 =	simm.s32 @!p0 $0x108  }
0x21: {  	s3 =	sadd.s32 s3, s9;
	s6 =	sadd.s32 @!p0 $0x88, s6;
	s7 =	simm.s32 @p2 $0x1082  }
0x22: {  	[simem:s7], [sflag:s8] =	dma.local @!p0 [hbm:s6], $0xF7A  }
0x23: {  	s9 =	sor.u32 $0xD0000000, s2;
	s6 =	simm.s32 $0x108;
	_ =	swait.ge @!p0 [sflag:s8], $0x0  }
0x24: {  	s3 =	sadd.s32 $0x88, s3;
	s6 =	simm.s32 @!p1 $0x1082;
	[sflag:s4] =	ssyncset.s32 $0xFFFFF086  }
0x25: {  	[simem:s6], [sflag:s4] =	dma.local [hbm:s3], $0xF7A  }
0x26: {  	[smem:$0x3F9E] =	sst s1;
	(tag) =	ssettag s2;
	_ =	strace s9  }
0x27: {  	s1 =	sld [smem:$0x3FAE]  }
0x28: {  	s2 =	sld [smem:$0x3FAF]  }
0x29: {  	s4 =	sld [smem:$0x3FB1]  }
0x2a: {  	p0 =	seq.s32 s5, $0x0;
	s5 =	sld [smem:$0x3FB2]  }
0x2b: {  	s6 =	sld [smem:$0x3FB3]  }
0x2c: {  	s7 =	sld [smem:$0x3FB4]  }
0x2d: {  	s3 =	simm.s32 $0x108;
	s8 =	sld [smem:$0x3FB5]  }
0x2e: {  	s3 =	simm.s32 @!p0 $0x1082;
	s9 =	sld [smem:$0x3FB6]  }
0x2f: {  	lr =	sadd.s32 s0, s3;
	s0 =	sld [smem:$0x3FAD]  }
0x30: {  	s3 =	sld [smem:$0x3FB0]  }
0x31: {  	[smem:$0x3FB9] =	sst s10  }
0x32: {  	s10 =	sld [smem:$0x3FB7];
	_ =	sdelay $0x3  }
0x33: {  	p0 =	seq.s32 s10, $0x1;
	s10 =	sld [smem:$0x3FB9];
	_ =	sdelay $0x3  }
0x34: {  	[smem:$0x3FB9] =	sst s10  }
0x35: {  	s10 =	sld [smem:$0x3FB8];
	_ =	sdelay $0x3  }
0x36: {  	p1 =	seq.s32 s10, $0x1;
	s10 =	sld [smem:$0x3FB9];
	_ =	sdelay $0x3  }
0x37: {  	[smem:$0x3FB9] =	sst s10  }
0x38: {  	s10 =	sld [smem:$0x3FBA]  }
0x39: {  	_ = 	snop;
	(pc) =	sbr.ind lr, $3  }
0x3a: {  	_ = 	snop  }
0x3b: {  	_ = 	snop  }
0x3c: {  	p2 =	seq.s32 s10, $0x1;
	s10 =	sld [smem:$0x3FB9]  }
0x3d: {  	_ =	shalt  }
0x3e: {  	_ =	shalt  }
0x3f: {  	_ =	shalt  }
0x40: {  	_ =	shalt  }
0x41: {  	_ =	shalt  }
0x42: {  	_ =	shalt  }
0x43: {  	_ =	shalt  }
0x44: {  	_ =	shalt  }
0x45: {  	_ =	shalt  }
0x46: {  	_ =	shalt  }
0x47: {  	_ =	shalt  }
0x48: {  	_ =	shalt  }
0x49: {  	_ =	shalt  }
0x4a: {  	_ =	shalt  }
0x4b: {  	_ =	shalt  }
0x4c: {  	_ =	shalt  }
0x4d: {  	_ =	shalt  }
0x4e: {  	_ =	shalt  }
0x4f: {  	_ =	shalt  }
0x50: {  	_ =	shalt  }
0x51: {  	_ =	shalt  }
0x52: {  	_ =	shalt  }
0x53: {  	_ =	shalt  }
0x54: {  	_ =	shalt  }
0x55: {  	_ =	shalt  }
0x56: {  	_ =	shalt  }
0x57: {  	_ =	shalt  }
0x58: {  	_ =	shalt  }
0x59: {  	_ =	shalt  }
0x5a: {  	_ =	shalt  }
0x5b: {  	_ =	shalt  }
0x5c: {  	_ =	shalt  }
0x5d: {  	_ =	shalt  }
0x5e: {  	_ =	shalt  }
0x5f: {  	_ =	shalt  }
0x60: {  	_ =	shalt  }
0x61: {  	_ =	shalt  }
0x62: {  	_ =	shalt  }
0x63: {  	_ =	shalt  }
0x64: {  	_ =	shalt  }
0x65: {  	_ =	shalt  }
0x66: {  	_ =	shalt  }
0x67: {  	_ =	shalt  }
0x68: {  	_ =	shalt  }
0x69: {  	_ =	shalt  }
0x6a: {  	_ =	shalt  }
0x6b: {  	_ =	shalt  }
0x6c: {  	_ =	shalt  }
0x6d: {  	_ =	shalt  }
0x6e: {  	_ =	shalt  }
0x6f: {  	_ =	shalt  }
0x70: {  	_ =	shalt  }
0x71: {  	_ =	shalt  }
0x72: {  	_ =	shalt  }
0x73: {  	_ =	shalt  }
0x74: {  	_ =	shalt  }
0x75: {  	_ =	shalt  }
0x76: {  	_ =	shalt  }
0x77: {  	_ =	shalt  }
0x78: {  	_ =	shalt  }
0x79: {  	_ =	shalt  }
0x7a: {  	_ =	shalt  }
0x7b: {  	_ =	shalt  }
0x7c: {  	_ =	shalt  }
0x7d: {  	_ =	shalt  }
0x7e: {  	_ =	shalt  }
0x7f: {  	_ =	shalt  }
0x80: {  	_ =	shalt  }
0x81: {  	_ =	shalt  }
0x82: {  	_ =	shalt  }
0x83: {  	_ =	shalt  }
0x84: {  	_ =	shalt  }
0x85: {  	_ =	shalt  }
0x86: {  	_ =	shalt  }
0x87: {  	_ =	shalt  }
.Lfunc_end0:
.L_simem_size_0:
called_computation.1_lowered:
.L_overlay_start_0:
0x88: {  	s2 =	sld [smem:$0x3FD9]  }
0x89: {  	s3 =	sld [smem:$0x3FFE];
	_ =	sdelay $0x1  }
0x8a: {  	s1 =	srdreg.scid  }
0x8b: {  	s0 =	sand.u32 $0x1, s1  }
0x8c: {  	s17 =	sshll.u32 s0, $0xA;
	s2 =	sadd.s32 s3, s2  }
0x8d: {  	s2 =	sadd.s32 s2, s17  }
0x8e: {  	[smem:$0x3FC5] =	sst s2  }
0x8f: {  	_ = 	snop  }
0x90: {  	s2 =	sld [smem:$0x3FC7];
	(tm) =	ssettm $0x1  }
0x91: {  	s18 =	sld [smem:$0x3FFB];
	_ =	sdelay $0x3  }
0x92: {  	_ =	strace s18  }
0x93: {  	s3 =	sld [smem:$0x3FFC];
	_ =	sdelay $0x3  }
0x94: {  	_ =	strace s3  }
0x95: {  	s3 =	sld [smem:$0x3FFD];
	_ =	sdelay $0x3  }
0x96: {  	_ =	strace s3  }
0x97: {  	_ =	strace $0x8FFFFFFF  }
0x98: {  	s19 =	sld [smem:$0x3FDB];
	_ =	sdelay $0x1  }
0x99: {  	s4 =	simm.s32 $_scs_section_size  }
0x9a: {  	s5 =	simm.s32 $_size__tile_overlayer_lowered;
	s6 =	simm.s32 $_tile_overlayer_lowered  }
0x9b: {  	s22 =	simm.s32 $0x1BFF;
	s21 =	sshll.u32 s6, $0x1;
	s3 =	sadd.s32 s4, s19  }
0x9c: {  	s7 =	simm.s32 $0x0;
	s20 =	sshll.u32 s5, $0x1;
	s5 =	sadd.s32 s21, s3  }
0x9d: {  	[timem:s7], [sflag:s22] =	dma.local [hbm:s5], s20  }
0x9e: {  	_ =	swait.ge [sflag:s22], s20  }
0x9f: {  	s4 =	ssub.s32 $0x0, s20;
	[sflag:s22] =	ssyncset.done $0x0  }
0xa0: {  	[sflag:s22] =	ssyncadd.s32 s4;
	_ =	sdelay $0x1  }
0xa1: {  	s23 =	simm.s32 $0x1B8B  }
0xa2: {  	_ =	swait.ge [sflag:s23], $0x1  }
0xa3: {  	[sflag:s23] =	ssyncset.done $0x0  }
0xa4: {  	s25 =	simm.s32 $0x1B8E;
	s24 =	sld [smem:$0x3FFE];
	[sflag:s23] =	ssyncadd.s32 $0xFFFFFFFF  }
0xa5: {  	s26 =	simm.s32 $execute0_lowered;
	[smem:$0x3FD2] =	sst s25  }
0xa6: {  	s5 =	sshll.u32 s26, $0x1;
	_ =	strace $0x80000046;
	[dreg:$0x1] =	wrdreg $0xFFFFFFFF  }
0xa7: {  	s28 =	simm.s32 $_size_execute0_lowered;
	s3 =	sadd.s32 s3, s5;
	[dreg:$0x0] =	wrdreg $0x0  }
0xa8: {  	s5 =	sshll.u32 s28, $0x1;
	[dreg:$0x2] =	wrdreg s3  }
0xa9: {  	[dreg:$0x3] =	wrdreg s5  }
0xaa: {  	[dreg:$0x4] =	wrdreg $0xC0  }
0xab: {  	_ =	task [dreg:s7], $0x5FFFF  }
0xac: {  	[dreg:$0x1] =	wrdreg $0xFFFFFFFF  }
0xad: {  	[dreg:$0x0] =	wrdreg $0x60  }
0xae: {  	[dreg:$0x2] =	wrdreg s24  }
0xaf: {  	[dreg:$0x3] =	wrdreg s2  }
0xb0: {  	[dreg:$0x4] =	wrdreg $0xA  }
0xb1: {  	_ =	task.clear_ibuf [dreg:s7], $0x5FFFF;
	_ =	strace $0x90000046  }
0xb2: {  	s29 =	simm.s32 $0xA;
	_ =	strace $0x80000048  }
0xb3: {  	_ =	swait.ge [sflag:s29], $0x1  }
0xb4: {  	[sflag:s29] =	ssyncadd.s32 $0xFFFFFFFF  }
0xb5: {  	_ =	strace $0x90000048  }
0xb6: {  	_ =	sfence  }
0xb7: {  	s30 =	sld [smem:$0x0];
	_ =	sdelay $0x2  }
0xb8: {  	s31 =	sshll.u32 s1, $0xD;
	s1 =	sshrl.u32 s1, $0x2  }
0xb9: {  	s3 =	sand.u32 $0x4000, s31;
	s1 =	sadd.s32 s1, s30  }
0xba: {  	s0 =	sor.u32 s3, s0;
	s1 =	sshll.u32 s1, $0x11  }
0xbb: {  	s0 =	sor.u32 s1, s0  }
0xbc: {  	s0 =	sadd.s32 $0x8F2B, s0  }
0xbd: {  	[sflag:s0] =	ssyncadd.remote.s32 $0x1  }
0xbe: {  	_ =	sfence.sel $0xFFFF  }
0xbf: {  	[dreg:$0x0] =	wrdreg $0xFFFFFFFF;
	(pc) =	sbr.abs _section_cstart, $3  }
0xc0: {  	[dreg:$0x1] =	wrdreg $0xFFFFFFFF  }
0xc1: {  	_ =	task.clear_ibuf [dreg:s7], $0x2FFFF;
	_ =	strace $0x9FFFFFFF  }
0xc2: {  	(tm) =	ssettm $0x7FFFFFFF  }
0xc3: {  	_ =	shalt  }
tec
execute0_lowered:
.L_overlay_start_1:
0x0: {  	(tag) =	ssettag $0x1  }
0x1: {  	s3 =	rddreg [dreg:$0x0];
	s1 =	srdreg.scid  }
0x2: {  	s0 =	stileid.u32;
	s4 =	rddreg [dreg:$0x1]  }
0x3: {  	s11 =	simm.s32 $0x8D00;
	s12 =	simm.s32 $0xD380;
	s13 =	simm.s32 $0x1  }
0x4: {  	s14 =	simm.s32 $0x11A00;
	s15 =	simm.s32 $0x14180;
	s16 =	simm.s32 $0x2  }
0x5: {  	s17 =	simm.s32 $0x80;
	s18 =	simm.s32 $0x400;
	s19 =	simm.s32 $0x3  }
0x6: {  	s20 =	simm.s32 $0x0;
	s5 =	sand.u32 $0x1, s1;
	s2 =	sshll.u32 s0, $0x1  }
0x7: {  	s1 =	rddreg [dreg:$0x2];
	s8 =	sshrl.u32 s0, $0x2;
	s6 =	sor.u32 s5, s2  }
0x8: {  	s2 =	simm.s32 $0x0;
	s8 =	smul.u32 $0x13C00, s8;
	s5 =	ssub.s32 $0x2, s5  }
0x9: {  	s7 =	smul.u32 $0x8CA0, s6;
	[smem:$0x7FF] =	sst s2;
	s6 =	sshll.u32 s6, $0x7  }
0xa: {  	s9 =	sshrl.u32 s5, $0x1;
	_ =	strace $0x80000047;
	s6 =	sand.u32 $0x380, s6  }
0xb: {  	s9 =	ssub.s32 s5, s9;
	s7 =	sshrl.u32 s7, $0x3;
	s6 =	sor.u32 s8, s6  }
0xc: {  	s9 =	smax.u32 s9, $0x1;
	s30 =	sadd.s32 s7, s3;
	s6 =	sshrl.u32 s6, $0x3  }
0xd: {  	s31 =	sadd.s32 s4, s7;
	s10 =	sadd.s32 s6, s3;
	s3 =	sadd.s32 $0x2C00, s30  }
0xe: {  	v1 =	vlaneseq.u32;
	s4 =	sadd.s32 $0x1B580, s31;
	s5 =	sadd.s32 $0x34CA, s30;
	s6 =	sadd.s32 $0x1BE4A, s31  }
0xf: {  	v0 =	vimm.f32 $0.0e+00;
	v2 =	vimm.f32 $1.000000000e+00;
	v1 =	vmul.u32 $0x465, v1;
	s7 =	sadd.s32 $0x26000, s10;
	s8 =	sadd.s32 $0x2FE00, s10;
	s10 =	simm.s32 $0x4680  }
.LBB2_1:
0x10: {  	[tilespmem:s2], [sflag:$0x1] =	stream.linear.gather [hbm4b:s3+s2], $0x4650, $0x38;
	[tilespmem:$0x16900] =	vst v63  }
0x11: {  	s21 =	simm.s32 $0x11A20  }
0x12: {  	[tilespmem:s10], [sflag:$0x1] =	stream.linear.gather [hbm4b:s4+s2], $0x4650, $0x38;
	[tilespmem:$0x16900] =	vst v63  }
0x13: {  	[tilespmem:s21+$0xFFFFFFF0] =	vst v0  }
0x14: {  	[tilespmem:s21+$0xFFFFFFE0] =	vst v0  }
0x15: {  	[tilespmem:s21+$0x0] =	vst v0  }
0x16: {  	[tilespmem:s21+$0x10] =	vst v0  }
0x17: {  	s22 =	simm.s32 $0x141A0;
	[tilespmem:s21+$0x20] =	vst v0  }
0x18: {  	[tilespmem:s22+$0xFFFFFFE0] =	vst v0  }
0x19: {  	[tilespmem:s22+$0x20] =	vst v0  }
0x1a: {  	[tilespmem:s22+$0x10] =	vst v0  }
0x1b: {  	s23 =	simm.s32 $0x0;
	[tilespmem:s22+$0x0] =	vst v0  }
.LBB2_2:
0x1c: {  	s23 =	sadd.s32 $0x5, s23;
	[tilespmem:s22+$0xFFFFFFF0] =	vst v0;
	s21 =	sadd.s32 $0x50, s21;
	s22 =	sadd.s32 $0x50, s22  }
0x1d: {  	[tilespmem:s21+$0xFFFFFFF0] =	vst v0;
	p0 =	slt.u32 s23, $0x26C  }
0x1e: {  	[tilespmem:s21+$0xFFFFFFE0] =	vst v0  }
0x1f: {  	[tilespmem:s22+$0xFFFFFFE0] =	vst v0  }
0x20: {  	[tilespmem:s21+$0x0] =	vst v0  }
.Ltmp0:
0x21: {  	[tilespmem:s21+$0x10] =	vst v0;
	(pc) =	sbr.rel @p0 .LBB2_2-.Ltmp0, $4  }
0x22: {  	[tilespmem:s21+$0x20] =	vst v0  }
0x23: {  	[tilespmem:s22+$0x20] =	vst v0  }
0x24: {  	[tilespmem:s22+$0x10] =	vst v0  }
0x25: {  	[tilespmem:s22+$0x0] =	vst v0  }
0x26: {  	[tilespmem:s22+$0xFFFFFFF0] =	vst v0;
	s21 =	simm.s32 $0x0  }
0x27: {  	[tilespmem:s11], [sflag:$0x2] =	stream.linear.gather [hbm4b:s5+s21], $0x4650, $0x38;
	[tilespmem:$0x16900] =	vst v63  }
0x28: {  	_ = 	snop  }
0x29: {  	[tilespmem:s12], [sflag:$0x2] =	stream.linear.gather [hbm4b:s6+s21], $0x4650, $0x38;
	[tilespmem:$0x16900] =	vst v63  }
0x2a: {  	_ =	swait.ge [sflag:s13], $0x4650  }
0x2b: {  	s28 =	simm.s32 $0x4;
	v3 =	vadd.s32 s21, v1;
	[sflag:s13] =	ssyncset.done $0x0  }
0x2c: {  	v4 =	vadd.s32 s28, v1;
	[sflag:s13] =	ssyncadd.s32 $0xFFFFB9B0  }
0x2d: {  	_ =	swait.ge [sflag:s13], $0x4650  }
0x2e: {  	s29 =	simm.s32 $0x2;
	[sflag:s13] =	ssyncset.done $0x0  }
0x2f: {  	v5 =	vadd.s32 s29, v1;
	[sflag:s13] =	ssyncadd.s32 $0xFFFFB9B0  }
0x30: {  	s30 =	simm.s32 $0x1;
	v8 =	vld.idx.msk [tilespmem:v3+s10+$0x0], $0xffff  }
0x31: {  	s31 =	simm.s32 $0x3;
	v6 =	vadd.s32 s30, v1;
	v9 =	vld.idx.msk [tilespmem:v4+s2+$0x0], $0xffff  }
0x32: {  	v10 =	vadd.s32 s31, v1;
	v11 =	vld.idx.msk [tilespmem:v3+s2+$0x0], $0xffff  }
0x33: {  	v13 =	vld.idx.msk [tilespmem:v4+s10+$0x0], $0xffff  }
0x34: {  	v7 =	vld.idx.msk [tilespmem:v5+s10+$0x0], $0xffff  }
0x35: {  	v12 =	vld.idx.msk [tilespmem:v5+s2+$0x0], $0xffff  }
0x36: {  	v3 =	vld.idx.msk [tilespmem:v6+s10+$0x0], $0xffff  }
0x37: {  	v5 =	vld.idx.msk [tilespmem:v10+s2+$0x0], $0xffff  }
0x38: {  	v4 =	vld.idx.msk [tilespmem:v10+s10+$0x0], $0xffff  }
0x39: {  	v6 =	vld.idx.msk [tilespmem:v6+s2+$0x0], $0xffff  }
0x3a: {  	[tilespmem:v8+s14+$0x0] =	vst.idx.add.f32.msk $0xffff, v11  }
0x3b: {  	[tilespmem:v13+s14+$0x0] =	vst.idx.add.f32.msk $0xffff, v9  }
0x3c: {  	[tilespmem:v7+s14+$0x0] =	vst.idx.add.f32.msk $0xffff, v12  }
0x3d: {  	[tilespmem:v8+s15+$0x0] =	vst.idx.add.f32.msk $0xffff, v2  }
0x3e: {  	s21 =	simm.s32 $0x5;
	[tilespmem:v13+s15+$0x0] =	vst.idx.add.f32.msk $0xffff, v2  }
.LBB2_4:
0x3f: {  	s22 =	sadd.s32 $0x1, s21  }
0x40: {  	v8 =	vadd.s32 s21, v1;
	s23 =	sadd.s32 $0x4, s21;
	[tilespmem:v7+s15+$0x0] =	vst.idx.add.f32.msk $0xffff, v2;
	s24 =	smov.u32 s21;
	s25 =	sadd.s32 $0x5, s21  }
0x41: {  	p0 =	slt.u32 s21, $0x460;
	v9 =	vadd.s32 s22, v1;
	s22 =	sadd.s32 $0x2, s24;
	v7 =	vadd.s32 s23, v1;
	[tilespmem:v4+s14+$0x0] =	vst.idx.add.f32.msk $0xffff, v5  }
0x42: {  	s21 =	sadd.s32 $0x3, s24;
	v5 =	vadd.s32 s22, v1;
	[tilespmem:v4+s15+$0x0] =	vst.idx.add.f32.msk $0xffff, v2  }
0x43: {  	v4 =	vadd.s32 s21, v1;
	[tilespmem:v3+s14+$0x0] =	vst.idx.add.f32.msk $0xffff, v6  }
0x44: {  	[tilespmem:v3+s15+$0x0] =	vst.idx.add.f32.msk $0xffff, v2  }
0x45: {  	v10 =	vld.idx.msk [tilespmem:v8+s10+$0x0], $0xffff  }
0x46: {  	v11 =	vld.idx.msk [tilespmem:v7+s2+$0x0], $0xffff  }
0x47: {  	v6 =	vld.idx.msk [tilespmem:v8+s2+$0x0], $0xffff  }
0x48: {  	v8 =	vld.idx.msk [tilespmem:v5+s2+$0x0], $0xffff  }
0x49: {  	v12 =	vld.idx.msk [tilespmem:v7+s10+$0x0], $0xffff  }
0x4a: {  	v7 =	vld.idx.msk [tilespmem:v5+s10+$0x0], $0xffff  }
0x4b: {  	v3 =	vld.idx.msk [tilespmem:v9+s10+$0x0], $0xffff  }
0x4c: {  	v5 =	vld.idx.msk [tilespmem:v4+s2+$0x0], $0xffff  }
0x4d: {  	v4 =	vld.idx.msk [tilespmem:v4+s10+$0x0], $0xffff  }
0x4e: {  	[tilespmem:v10+s14+$0x0] =	vst.idx.add.f32.msk $0xffff, v6  }
.Ltmp1:
0x4f: {  	v6 =	vld.idx.msk [tilespmem:v9+s2+$0x0], $0xffff;
	(pc) =	sbr.rel @p0 .LBB2_4-.Ltmp1, $4  }
0x50: {  	[tilespmem:v10+s15+$0x0] =	vst.idx.add.f32.msk $0xffff, v2  }
0x51: {  	[tilespmem:v12+s14+$0x0] =	vst.idx.add.f32.msk $0xffff, v11  }
0x52: {  	[tilespmem:v12+s15+$0x0] =	vst.idx.add.f32.msk $0xffff, v2  }
0x53: {  	s21 =	smov.u32 s25;
	[tilespmem:v7+s14+$0x0] =	vst.idx.add.f32.msk $0xffff, v8  }
0x54: {  	_ =	sdelay $0x3  }
0x55: {  	[tilespmem:v7+s15+$0x0] =	vst.idx.add.f32.msk $0xffff, v2  }
0x56: {  	[tilespmem:v4+s14+$0x0] =	vst.idx.add.f32.msk $0xffff, v5  }
0x57: {  	[tilespmem:v3+s14+$0x0] =	vst.idx.add.f32.msk $0xffff, v6  }
0x58: {  	[tilespmem:v4+s15+$0x0] =	vst.idx.add.f32.msk $0xffff, v2  }
0x59: {  	s21 =	simm.s32 $0x0;
	[tilespmem:v3+s15+$0x0] =	vst.idx.add.f32.msk $0xffff, v2  }
0x5a: {  	[tilespmem:s21], [sflag:$0x1] =	stream.linear.gather [hbm4b:s5+s21], $0x4650, $0x38;
	[tilespmem:$0x16900] =	vst v63  }
0x5b: {  	_ = 	snop  }
0x5c: {  	[tilespmem:s10], [sflag:$0x1] =	stream.linear.gather [hbm4b:s6+s21], $0x4650, $0x38;
	[tilespmem:$0x16900] =	vst v63  }
0x5d: {  	_ =	swait.ge [sflag:s16], $0x4650  }
0x5e: {  	s28 =	simm.s32 $0x4;
	v3 =	vadd.s32 s21, v1;
	[sflag:s16] =	ssyncset.done $0x0  }
0x5f: {  	v4 =	vadd.s32 s28, v1;
	[sflag:s16] =	ssyncadd.s32 $0xFFFFB9B0  }
0x60: {  	_ =	swait.ge [sflag:s16], $0x4650  }
0x61: {  	s29 =	simm.s32 $0x2;
	[sflag:s16] =	ssyncset.done $0x0  }
0x62: {  	v5 =	vadd.s32 s29, v1;
	[sflag:s16] =	ssyncadd.s32 $0xFFFFB9B0  }
0x63: {  	s30 =	simm.s32 $0x1;
	v8 =	vld.idx.msk [tilespmem:v3+s12+$0x0], $0xffff  }
0x64: {  	s31 =	simm.s32 $0x3;
	v6 =	vadd.s32 s30, v1;
	v9 =	vld.idx.msk [tilespmem:v4+s11+$0x0], $0xffff  }
0x65: {  	v10 =	vadd.s32 s31, v1;
	v11 =	vld.idx.msk [tilespmem:v3+s11+$0x0], $0xffff  }
0x66: {  	v13 =	vld.idx.msk [tilespmem:v4+s12+$0x0], $0xffff  }
0x67: {  	v7 =	vld.idx.msk [tilespmem:v5+s12+$0x0], $0xffff  }
0x68: {  	v12 =	vld.idx.msk [tilespmem:v5+s11+$0x0], $0xffff  }
0x69: {  	v3 =	vld.idx.msk [tilespmem:v6+s12+$0x0], $0xffff  }
0x6a: {  	v5 =	vld.idx.msk [tilespmem:v10+s11+$0x0], $0xffff  }
0x6b: {  	v4 =	vld.idx.msk [tilespmem:v10+s12+$0x0], $0xffff  }
0x6c: {  	v6 =	vld.idx.msk [tilespmem:v6+s11+$0x0], $0xffff  }
0x6d: {  	[tilespmem:v8+s14+$0x0] =	vst.idx.add.f32.msk $0xffff, v11  }
0x6e: {  	[tilespmem:v13+s14+$0x0] =	vst.idx.add.f32.msk $0xffff, v9  }
0x6f: {  	[tilespmem:v7+s14+$0x0] =	vst.idx.add.f32.msk $0xffff, v12  }
0x70: {  	[tilespmem:v8+s15+$0x0] =	vst.idx.add.f32.msk $0xffff, v2  }
0x71: {  	s21 =	simm.s32 $0x5;
	[tilespmem:v13+s15+$0x0] =	vst.idx.add.f32.msk $0xffff, v2  }
.LBB2_6:
0x72: {  	s22 =	sadd.s32 $0x1, s21  }
0x73: {  	v8 =	vadd.s32 s21, v1;
	s23 =	sadd.s32 $0x4, s21;
	[tilespmem:v7+s15+$0x0] =	vst.idx.add.f32.msk $0xffff, v2;
	s24 =	smov.u32 s21;
	s25 =	sadd.s32 $0x5, s21  }
0x74: {  	p0 =	slt.u32 s21, $0x460;
	v9 =	vadd.s32 s22, v1;
	s22 =	sadd.s32 $0x2, s24;
	v7 =	vadd.s32 s23, v1;
	[tilespmem:v4+s14+$0x0] =	vst.idx.add.f32.msk $0xffff, v5  }
0x75: {  	s21 =	sadd.s32 $0x3, s24;
	v5 =	vadd.s32 s22, v1;
	[tilespmem:v4+s15+$0x0] =	vst.idx.add.f32.msk $0xffff, v2  }
0x76: {  	v4 =	vadd.s32 s21, v1;
	[tilespmem:v3+s14+$0x0] =	vst.idx.add.f32.msk $0xffff, v6  }
0x77: {  	[tilespmem:v3+s15+$0x0] =	vst.idx.add.f32.msk $0xffff, v2  }
0x78: {  	v10 =	vld.idx.msk [tilespmem:v8+s12+$0x0], $0xffff  }
0x79: {  	v11 =	vld.idx.msk [tilespmem:v7+s11+$0x0], $0xffff  }
0x7a: {  	v6 =	vld.idx.msk [tilespmem:v8+s11+$0x0], $0xffff  }
0x7b: {  	v8 =	vld.idx.msk [tilespmem:v5+s11+$0x0], $0xffff  }
0x7c: {  	v12 =	vld.idx.msk [tilespmem:v7+s12+$0x0], $0xffff  }
0x7d: {  	v7 =	vld.idx.msk [tilespmem:v5+s12+$0x0], $0xffff  }
0x7e: {  	v3 =	vld.idx.msk [tilespmem:v9+s12+$0x0], $0xffff  }
0x7f: {  	v5 =	vld.idx.msk [tilespmem:v4+s11+$0x0], $0xffff  }
0x80: {  	v4 =	vld.idx.msk [tilespmem:v4+s12+$0x0], $0xffff  }
0x81: {  	[tilespmem:v10+s14+$0x0] =	vst.idx.add.f32.msk $0xffff, v6  }
.Ltmp2:
0x82: {  	v6 =	vld.idx.msk [tilespmem:v9+s11+$0x0], $0xffff;
	(pc) =	sbr.rel @p0 .LBB2_6-.Ltmp2, $4  }
0x83: {  	[tilespmem:v10+s15+$0x0] =	vst.idx.add.f32.msk $0xffff, v2  }
0x84: {  	[tilespmem:v12+s14+$0x0] =	vst.idx.add.f32.msk $0xffff, v11  }
0x85: {  	[tilespmem:v12+s15+$0x0] =	vst.idx.add.f32.msk $0xffff, v2  }
0x86: {  	s21 =	smov.u32 s25;
	[tilespmem:v7+s14+$0x0] =	vst.idx.add.f32.msk $0xffff, v8  }
0x87: {  	_ =	sdelay $0x3  }
0x88: {  	[tilespmem:v7+s15+$0x0] =	vst.idx.add.f32.msk $0xffff, v2  }
0x89: {  	[tilespmem:v4+s14+$0x0] =	vst.idx.add.f32.msk $0xffff, v5  }
0x8a: {  	[tilespmem:v3+s14+$0x0] =	vst.idx.add.f32.msk $0xffff, v6  }
0x8b: {  	[tilespmem:v4+s15+$0x0] =	vst.idx.add.f32.msk $0xffff, v2  }
0x8c: {  	[tilespmem:v3+s15+$0x0] =	vst.idx.add.f32.msk $0xffff, v2  }
0x8d: {  	_ =	swait.ge [sflag:s13], $0x4650  }
0x8e: {  	[sflag:s13] =	ssyncset.done $0x0  }
0x8f: {  	[sflag:s13] =	ssyncadd.s32 $0xFFFFB9B0  }
0x90: {  	_ =	swait.ge [sflag:s13], $0x4650  }
0x91: {  	[sflag:s13] =	ssyncset.done $0x0  }
0x92: {  	[sflag:s13] =	ssyncadd.s32 $0xFFFFB9B0  }
0x93: {  	[hbm4b:s7+s17] =	stream.strided.scatter [tilespmem:s14], [sflag:$0x3], $0x2780, s18, s17, $0x38;
	[tilespmem:$0x16900] =	vst v63  }
0x94: {  	s20 =	sadd.s32 $0x1, s20;
	_ =	swait.ge [sflag:s19], $0x2780  }
0x95: {  	p0 =	sne.s32 s20, s9;
	[sflag:s19] =	ssyncset.done $0x0  }
.Ltmp3:
0x96: {  	[sflag:s19] =	ssyncadd.s32 $0xFFFFD880;
	(pc) =	sbr.rel @p0 .LBB2_1-.Ltmp3, $4  }
0x97: {  	[hbm4b:s8+s17] =	stream.strided.scatter [tilespmem:s15], [sflag:$0x3], $0x2780, s18, s17, $0x38;
	[tilespmem:$0x16900] =	vst v63  }
0x98: {  	_ =	swait.ge [sflag:s19], $0x2780  }
0x99: {  	[sflag:s19] =	ssyncset.done $0x0  }
0x9a: {  	[sflag:s19] =	ssyncadd.s32 $0xFFFFD880  }
0x9b: {  	_ =	sfence.sel $0x180000  }
0x9c: {  	[bflag:$0x0] =	sbarrier.arrive $0xFFFF  }
0x9d: {  	p0 =	sne.s32 s0, $0x0;
	_ =	strace $0x90000047  }
0x9e: {  	s0 =	sadd.s32 @!p0 $0x100000, s1;
	[bflag:$0x2] =	sbarrier.arrive $0xFFFF  }
0x9f: {  	[sflag:s0] =	ssyncadd.tile.s32 @!p0 $0x1;
	_ =	shalt  }
.Lfunc_end2:
_tile_overlayer_lowered:
.L_overlay_start_2:
0xa0: {  	(tag) =	ssettag $0x2  }
0xa1: {  	s0 =	rddreg [dreg:$0x0];
	s2 =	stileid.u32  }
0xa2: {  	s1 =	rddreg [dreg:$0x1];
	p0 =	sne.s32 s2, $0x0  }
0xa3: {  	s3 =	rddreg [dreg:$0x2];
	[bflag:$0x3] =	sbarrier.arrive $0xFFFF;
	s2 =	simm.s32 @!p0 $0x1C03  }
0xa4: {  	[timem:s3], [sflag:s2] =	dma.local @!p0 [hbm:s0], s1  }
0xa5: {  	s0 =	simm.s32 @!p0 $0x3  }
0xa6: {  	_ =	swait.ge @!p0 [sflag:s0], s1  }
0xa7: {  	s1 =	ssub.s32 @!p0 $0x0, s1;
	[sflag:s0] =	ssyncset.done @!p0 $0x0  }
0xa8: {  	[sflag:s0] =	ssyncadd.s32 @!p0 s1  }
0xa9: {  	[bflag:$0x3] =	sbarrier.arrive $0xFFFF  }
0xaa: {  	_ =	shalt  }

// kernel: kernel.15.cloned.1.call-start
scs
__scs_entry_jumppad:
0x0: {  	(pc) =	sbr.rel $0x88, $3  }
0x1: {  	(tag) =	ssettag $0x0;
	lr =	simm.s32 $0x1  }
0x2: {  	[smem:$0x3F9E] =	sst lr;
	_ =	strace $0xD0000000  }
0x3: {  	_ = 	snop  }
0x4: {  	_ = 	snop  }
0x5: {  	_ = 	snop  }
0x6: {  	_ = 	snop  }
0x7: {  	_ = 	snop  }
__scs_overlays_trampoline_lowered:
0x8: {  	[smem:$0x3FAD] =	sst s0  }
0x9: {  	[smem:$0x3FAE] =	sst s1  }
0xa: {  	[smem:$0x3FAF] =	sst s2  }
0xb: {  	[smem:$0x3FB0] =	sst s3  }
0xc: {  	[smem:$0x3FB1] =	sst s4  }
0xd: {  	[smem:$0x3FB2] =	sst s5  }
0xe: {  	[smem:$0x3FB3] =	sst s6  }
0xf: {  	[smem:$0x3FB4] =	sst s7  }
0x10: {  	[smem:$0x3FB5] =	sst s8  }
0x11: {  	[smem:$0x3FB6] =	sst s9;
	s0 =	simm.s32 @!p0 $0x0  }
0x12: {  	s1 =	sld [smem:$0x3F9C];
	s0 =	simm.s32 @p0 $0x1  }
0x13: {  	[smem:$0x3FB7] =	sst s0;
	s0 =	simm.s32 @!p1 $0x0  }
0x14: {  	s2 =	sld [smem:$0x3F9B];
	s0 =	simm.s32 @p1 $0x1  }
0x15: {  	[smem:$0x3FB8] =	sst s0;
	s0 =	simm.s32 @!p2 $0x0  }
0x16: {  	s3 =	sld [smem:$0x3FDB];
	s0 =	simm.s32 @p2 $0x1  }
0x17: {  	s4 =	simm.s32 $0x1BF5;
	[smem:$0x3FBA] =	sst s0  }
0x18: {  	s0 =	sld [smem:$0x3F9D];
	_ =	swait.ge [sflag:s4], $0x0  }
0x19: {  	s7 =	sld [smem:$0x3F9E]  }
0x1a: {  	s8 =	sadd.s32 $0xFFFFE003, lr  }
0x1b: {  	s9 =	sadd.s32 $0xFFFFFEF7, lr;
	s5 =	simm.s32 $0xFFFFFFFF;
	p2 =	slt.u32 s8, $0xFFFFF086  }
0x1c: {  	p1 =	slt.u32 s9, $0xF7A;
	s5 =	simm.s32 @!p2 $0x0  }
0x1d: {  	s5 =	simm.s32 @p1 $0x1;
	p0 =	seq.s32 s7, s2  }
0x1e: {  	s7 =	smul.u32 @!p0 $0xF7A, s2;
	p2 =	seq.s32 @!p0 s5, $0x0  }
0x1f: {  	s9 =	smul.u32 $0xF7A, s1;
	s8 =	simm.s32 @!p0 $0x1BF5;
	p2 =	por !p2, p0  }
0x20: {  	[sflag:s8] =	ssyncset.s32 @!p0 $0xFFFFF086;
	s6 =	sadd.s32 @!p0 s3, s7;
	s7 =	simm.s32 @!p0 $0x108  }
0x21: {  	s3 =	sadd.s32 s3, s9;
	s6 =	sadd.s32 @!p0 $0x88, s6;
	s7 =	simm.s32 @p2 $0x1082  }
0x22: {  	[simem:s7], [sflag:s8] =	dma.local @!p0 [hbm:s6], $0xF7A  }
0x23: {  	s9 =	sor.u32 $0xD0000000, s2;
	s6 =	simm.s32 $0x108;
	_ =	swait.ge @!p0 [sflag:s8], $0x0  }
0x24: {  	s3 =	sadd.s32 $0x88, s3;
	s6 =	simm.s32 @!p1 $0x1082;
	[sflag:s4] =	ssyncset.s32 $0xFFFFF086  }
0x25: {  	[simem:s6], [sflag:s4] =	dma.local [hbm:s3], $0xF7A  }
0x26: {  	[smem:$0x3F9E] =	sst s1;
	(tag) =	ssettag s2;
	_ =	strace s9  }
0x27: {  	s1 =	sld [smem:$0x3FAE]  }
0x28: {  	s2 =	sld [smem:$0x3FAF]  }
0x29: {  	s4 =	sld [smem:$0x3FB1]  }
0x2a: {  	p0 =	seq.s32 s5, $0x0;
	s5 =	sld [smem:$0x3FB2]  }
0x2b: {  	s6 =	sld [smem:$0x3FB3]  }
0x2c: {  	s7 =	sld [smem:$0x3FB4]  }
0x2d: {  	s3 =	simm.s32 $0x108;
	s8 =	sld [smem:$0x3FB5]  }
0x2e: {  	s3 =	simm.s32 @!p0 $0x1082;
	s9 =	sld [smem:$0x3FB6]  }
0x2f: {  	lr =	sadd.s32 s0, s3;
	s0 =	sld [smem:$0x3FAD]  }
0x30: {  	s3 =	sld [smem:$0x3FB0]  }
0x31: {  	[smem:$0x3FB9] =	sst s10  }
0x32: {  	s10 =	sld [smem:$0x3FB7];
	_ =	sdelay $0x3  }
0x33: {  	p0 =	seq.s32 s10, $0x1;
	s10 =	sld [smem:$0x3FB9];
	_ =	sdelay $0x3  }
0x34: {  	[smem:$0x3FB9] =	sst s10  }
0x35: {  	s10 =	sld [smem:$0x3FB8];
	_ =	sdelay $0x3  }
0x36: {  	p1 =	seq.s32 s10, $0x1;
	s10 =	sld [smem:$0x3FB9];
	_ =	sdelay $0x3  }
0x37: {  	[smem:$0x3FB9] =	sst s10  }
0x38: {  	s10 =	sld [smem:$0x3FBA]  }
0x39: {  	_ = 	snop;
	(pc) =	sbr.ind lr, $3  }
0x3a: {  	_ = 	snop  }
0x3b: {  	_ = 	snop  }
0x3c: {  	p2 =	seq.s32 s10, $0x1;
	s10 =	sld [smem:$0x3FB9]  }
0x3d: {  	_ =	shalt  }
0x3e: {  	_ =	shalt  }
0x3f: {  	_ =	shalt  }
0x40: {  	_ =	shalt  }
0x41: {  	_ =	shalt  }
0x42: {  	_ =	shalt  }
0x43: {  	_ =	shalt  }
0x44: {  	_ =	shalt  }
0x45: {  	_ =	shalt  }
0x46: {  	_ =	shalt  }
0x47: {  	_ =	shalt  }
0x48: {  	_ =	shalt  }
0x49: {  	_ =	shalt  }
0x4a: {  	_ =	shalt  }
0x4b: {  	_ =	shalt  }
0x4c: {  	_ =	shalt  }
0x4d: {  	_ =	shalt  }
0x4e: {  	_ =	shalt  }
0x4f: {  	_ =	shalt  }
0x50: {  	_ =	shalt  }
0x51: {  	_ =	shalt  }
0x52: {  	_ =	shalt  }
0x53: {  	_ =	shalt  }
0x54: {  	_ =	shalt  }
0x55: {  	_ =	shalt  }
0x56: {  	_ =	shalt  }
0x57: {  	_ =	shalt  }
0x58: {  	_ =	shalt  }
0x59: {  	_ =	shalt  }
0x5a: {  	_ =	shalt  }
0x5b: {  	_ =	shalt  }
0x5c: {  	_ =	shalt  }
0x5d: {  	_ =	shalt  }
0x5e: {  	_ =	shalt  }
0x5f: {  	_ =	shalt  }
0x60: {  	_ =	shalt  }
0x61: {  	_ =	shalt  }
0x62: {  	_ =	shalt  }
0x63: {  	_ =	shalt  }
0x64: {  	_ =	shalt  }
0x65: {  	_ =	shalt  }
0x66: {  	_ =	shalt  }
0x67: {  	_ =	shalt  }
0x68: {  	_ =	shalt  }
0x69: {  	_ =	shalt  }
0x6a: {  	_ =	shalt  }
0x6b: {  	_ =	shalt  }
0x6c: {  	_ =	shalt  }
0x6d: {  	_ =	shalt  }
0x6e: {  	_ =	shalt  }
0x6f: {  	_ =	shalt  }
0x70: {  	_ =	shalt  }
0x71: {  	_ =	shalt  }
0x72: {  	_ =	shalt  }
0x73: {  	_ =	shalt  }
0x74: {  	_ =	shalt  }
0x75: {  	_ =	shalt  }
0x76: {  	_ =	shalt  }
0x77: {  	_ =	shalt  }
0x78: {  	_ =	shalt  }
0x79: {  	_ =	shalt  }
0x7a: {  	_ =	shalt  }
0x7b: {  	_ =	shalt  }
0x7c: {  	_ =	shalt  }
0x7d: {  	_ =	shalt  }
0x7e: {  	_ =	shalt  }
0x7f: {  	_ =	shalt  }
0x80: {  	_ =	shalt  }
0x81: {  	_ =	shalt  }
0x82: {  	_ =	shalt  }
0x83: {  	_ =	shalt  }
0x84: {  	_ =	shalt  }
0x85: {  	_ =	shalt  }
0x86: {  	_ =	shalt  }
0x87: {  	_ =	shalt  }
.Lfunc_end0:
.L_simem_size_0:
called_computation.2_lowered:
.L_overlay_start_0:
0x88: {  	s2 =	sld [smem:$0x3FD9]  }
0x89: {  	s3 =	sld [smem:$0x3FFE];
	_ =	sdelay $0x1  }
0x8a: {  	s1 =	srdreg.scid  }
0x8b: {  	s0 =	sand.u32 $0x1, s1  }
0x8c: {  	s17 =	sshll.u32 s0, $0xA;
	s2 =	sadd.s32 s3, s2  }
0x8d: {  	s2 =	sadd.s32 s2, s17  }
0x8e: {  	[smem:$0x3FC5] =	sst s2  }
0x8f: {  	_ = 	snop  }
0x90: {  	s18 =	sld [smem:$0x3FC7];
	(tm) =	ssettm $0x1  }
0x91: {  	s19 =	sld [smem:$0x3FFB];
	_ =	sdelay $0x3  }
0x92: {  	_ =	strace s19  }
0x93: {  	s2 =	sld [smem:$0x3FFC];
	_ =	sdelay $0x3  }
0x94: {  	_ =	strace s2  }
0x95: {  	s2 =	sld [smem:$0x3FFD];
	_ =	sdelay $0x3  }
0x96: {  	_ =	strace s2  }
0x97: {  	_ =	strace $0x8FFFFFFF  }
0x98: {  	s20 =	sld [smem:$0x3FDB];
	_ =	sdelay $0x1  }
0x99: {  	s4 =	simm.s32 $_scs_section_size  }
0x9a: {  	s5 =	simm.s32 $_size__tile_overlayer_lowered;
	s6 =	simm.s32 $_tile_overlayer_lowered  }
0x9b: {  	s7 =	simm.s32 $0x1BFF;
	s21 =	sshll.u32 s6, $0x1;
	s4 =	sadd.s32 s4, s20  }
0x9c: {  	s22 =	simm.s32 $0x0;
	s5 =	sshll.u32 s5, $0x1;
	s6 =	sadd.s32 s21, s4  }
0x9d: {  	[timem:s22], [sflag:s7] =	dma.local [hbm:s6], s5  }
0x9e: {  	_ =	swait.ge [sflag:s7], s5  }
0x9f: {  	s5 =	ssub.s32 $0x0, s5;
	[sflag:s7] =	ssyncset.done $0x0  }
0xa0: {  	[sflag:s7] =	ssyncadd.s32 s5;
	_ =	sdelay $0x1  }
0xa1: {  	s23 =	simm.s32 $0x1B8B  }
0xa2: {  	_ =	swait.ge [sflag:s23], $0x1  }
0xa3: {  	[sflag:s23] =	ssyncset.done $0x0  }
0xa4: {  	[sflag:s23] =	ssyncadd.s32 $0xFFFFFFFF  }
0xa5: {  	s5 =	sld [smem:$0x0]  }
0xa6: {  	s6 =	sand.u32 $0xFFFFFFFE, s1  }
0xa7: {  	p0 =	sne.s32 s1, s6  }
0xa8: {  	s6 =	sshll.u32 @p0 s6, $0xE  }
0xa9: {  	s6 =	sadd.s32 @p0 $0x11B8D, s6;
	s7 =	sshll.u32 @p0 s5, $0x11  }
0xaa: {  	s6 =	sor.u32 @p0 s7, s6  }
0xab: {  	[sflag:s6] =	ssyncadd.remote.s32 @p0 $0x1;
	_ =	sdelay $0x1  }
0xac: {  	s6 =	simm.s32 @p0 $0x1B8D  }
0xad: {  	_ =	swait.eq @p0 [sflag:s6], $0x1  }
0xae: {  	[sflag:s6] =	ssyncadd.s32 @p0 $0xFFFFFFFF  }
0xaf: {  	s7 =	sshll.u32 @!p0 s1, $0xE  }
0xb0: {  	s7 =	sor.u32 @!p0 $0x4000, s7;
	s6 =	simm.s32 @!p0 $0x1B8D  }
0xb1: {  	s5 =	sshll.u32 @!p0 s5, $0x11;
	s7 =	sadd.s32 @!p0 $0x11B8D, s7;
	_ =	swait.eq @!p0 [sflag:s6], $0x1  }
0xb2: {  	s5 =	sor.u32 @!p0 s5, s7;
	[sflag:s6] =	ssyncadd.s32 @!p0 $0xFFFFFFFF  }
0xb3: {  	s25 =	simm.s32 $0x1B8E;
	s24 =	sld [smem:$0x3FFE];
	[sflag:s5] =	ssyncadd.remote.s32 @!p0 $0x1  }
0xb4: {  	s26 =	simm.s32 $execute0_lowered;
	[smem:$0x3FD2] =	sst s25  }
0xb5: {  	s6 =	sshll.u32 s26, $0x1;
	_ =	strace $0x80000049;
	[dreg:$0x1] =	wrdreg $0xFFFFFFFF  }
0xb6: {  	s28 =	simm.s32 $_size_execute0_lowered;
	s4 =	sadd.s32 s4, s6;
	[dreg:$0x0] =	wrdreg $0x0  }
0xb7: {  	s6 =	sshll.u32 s28, $0x1;
	[dreg:$0x2] =	wrdreg s4  }
0xb8: {  	[dreg:$0x3] =	wrdreg s6  }
0xb9: {  	[dreg:$0x4] =	wrdreg $0xC0  }
0xba: {  	_ =	task [dreg:s22], $0x5FFFF  }
0xbb: {  	[dreg:$0x1] =	wrdreg $0xFFFFFFFF  }
0xbc: {  	[dreg:$0x0] =	wrdreg $0x60  }
0xbd: {  	[dreg:$0x2] =	wrdreg s24  }
0xbe: {  	[dreg:$0x3] =	wrdreg s18  }
0xbf: {  	[dreg:$0x4] =	wrdreg $0xB  }
0xc0: {  	_ =	task.clear_ibuf [dreg:s22], $0x5FFFF;
	_ =	strace $0x90000049  }
0xc1: {  	s29 =	simm.s32 $0xB;
	_ =	strace $0x8000004B  }
0xc2: {  	_ =	swait.ge [sflag:s29], $0x1  }
0xc3: {  	[sflag:s29] =	ssyncadd.s32 $0xFFFFFFFF  }
0xc4: {  	_ =	strace $0x9000004B  }
0xc5: {  	_ =	sfence  }
0xc6: {  	s30 =	sld [smem:$0x0];
	_ =	sdelay $0x2  }
0xc7: {  	s31 =	sshll.u32 s1, $0xD;
	s1 =	sshrl.u32 s1, $0x2  }
0xc8: {  	s4 =	sand.u32 $0x4000, s31;
	s1 =	sadd.s32 s1, s30  }
0xc9: {  	s0 =	sor.u32 s4, s0;
	s1 =	sshll.u32 s1, $0x11  }
0xca: {  	s0 =	sor.u32 s1, s0  }
0xcb: {  	s0 =	sadd.s32 $0x8F2B, s0  }
0xcc: {  	[sflag:s0] =	ssyncadd.remote.s32 $0x1  }
0xcd: {  	_ =	sfence.sel $0xFFFF  }
0xce: {  	[dreg:$0x0] =	wrdreg $0xFFFFFFFF;
	(pc) =	sbr.abs _section_cstart, $3  }
0xcf: {  	[dreg:$0x1] =	wrdreg $0xFFFFFFFF  }
0xd0: {  	_ =	task.clear_ibuf [dreg:s22], $0x2FFFF;
	_ =	strace $0x9FFFFFFF  }
0xd1: {  	(tm) =	ssettm $0x7FFFFFFF  }
tec
execute0_lowered:
.L_overlay_start_1:
0x0: {  	(tag) =	ssettag $0x1  }
0x1: {  	s3 =	rddreg [dreg:$0x0];
	s1 =	srdreg.scid  }
0x2: {  	s0 =	stileid.u32;
	s4 =	rddreg [dreg:$0x1]  }
0x3: {  	s11 =	simm.s32 $0x8D00;
	s12 =	simm.s32 $0xD380;
	s13 =	simm.s32 $0x1  }
0x4: {  	s14 =	simm.s32 $0x11A00;
	s15 =	simm.s32 $0x14180;
	s16 =	simm.s32 $0x2  }
0x5: {  	s17 =	simm.s32 $0x80;
	s18 =	simm.s32 $0x400;
	s19 =	simm.s32 $0x3  }
0x6: {  	s20 =	simm.s32 $0x0;
	s5 =	sand.u32 $0x1, s1;
	s2 =	sshll.u32 s0, $0x1  }
0x7: {  	s1 =	rddreg [dreg:$0x2];
	s8 =	sshrl.u32 s0, $0x2;
	s6 =	sor.u32 s5, s2  }
0x8: {  	s2 =	simm.s32 $0x0;
	s8 =	smul.u32 $0x13C00, s8;
	s5 =	ssub.s32 $0x2, s5  }
0x9: {  	s7 =	smul.u32 $0x8CA0, s6;
	[smem:$0x7FF] =	sst s2;
	s6 =	sshll.u32 s6, $0x7  }
0xa: {  	s9 =	sshrl.u32 s5, $0x1;
	_ =	strace $0x8000004A;
	s6 =	sand.u32 $0x380, s6  }
0xb: {  	s9 =	ssub.s32 s5, s9;
	s7 =	sshrl.u32 s7, $0x3;
	s6 =	sor.u32 s8, s6  }
0xc: {  	s9 =	smax.u32 s9, $0x1;
	s30 =	sadd.s32 s7, s3;
	s6 =	sshrl.u32 s6, $0x3  }
0xd: {  	s31 =	sadd.s32 s4, s7;
	s10 =	sadd.s32 s6, s3;
	s3 =	sadd.s32 $0x39C00, s30  }
0xe: {  	v1 =	vlaneseq.u32;
	s4 =	sadd.s32 $0x3E800, s31;
	s5 =	sadd.s32 $0x3A4CA, s30;
	s6 =	sadd.s32 $0x3F0CA, s31  }
0xf: {  	v0 =	vimm.f32 $0.0e+00;
	v2 =	vimm.f32 $1.000000000e+00;
	v1 =	vmul.u32 $0x465, v1;
	s7 =	sadd.s32 $0x5D000, s10;
	s8 =	sadd.s32 $0x66E00, s10;
	s10 =	simm.s32 $0x4680  }
.LBB2_1:
0x10: {  	[tilespmem:s2], [sflag:$0x1] =	stream.linear.gather [hbm4b:s3+s2], $0x4650, $0x38;
	[tilespmem:$0x16900] =	vst v63  }
0x11: {  	s21 =	simm.s32 $0x11A20  }
0x12: {  	[tilespmem:s10], [sflag:$0x1] =	stream.linear.gather [hbm4b:s4+s2], $0x4650, $0x38;
	[tilespmem:$0x16900] =	vst v63  }
0x13: {  	[tilespmem:s21+$0xFFFFFFF0] =	vst v0  }
0x14: {  	[tilespmem:s21+$0xFFFFFFE0] =	vst v0  }
0x15: {  	[tilespmem:s21+$0x0] =	vst v0  }
0x16: {  	[tilespmem:s21+$0x10] =	vst v0  }
0x17: {  	s22 =	simm.s32 $0x141A0;
	[tilespmem:s21+$0x20] =	vst v0  }
0x18: {  	[tilespmem:s22+$0xFFFFFFE0] =	vst v0  }
0x19: {  	[tilespmem:s22+$0x20] =	vst v0  }
0x1a: {  	[tilespmem:s22+$0x10] =	vst v0  }
0x1b: {  	s23 =	simm.s32 $0x0;
	[tilespmem:s22+$0x0] =	vst v0  }
.LBB2_2:
0x1c: {  	s23 =	sadd.s32 $0x5, s23;
	[tilespmem:s22+$0xFFFFFFF0] =	vst v0;
	s21 =	sadd.s32 $0x50, s21;
	s22 =	sadd.s32 $0x50, s22  }
0x1d: {  	[tilespmem:s21+$0xFFFFFFF0] =	vst v0;
	p0 =	slt.u32 s23, $0x26C  }
0x1e: {  	[tilespmem:s21+$0xFFFFFFE0] =	vst v0  }
0x1f: {  	[tilespmem:s22+$0xFFFFFFE0] =	vst v0  }
0x20: {  	[tilespmem:s21+$0x0] =	vst v0  }
.Ltmp0:
0x21: {  	[tilespmem:s21+$0x10] =	vst v0;
	(pc) =	sbr.rel @p0 .LBB2_2-.Ltmp0, $4  }
0x22: {  	[tilespmem:s21+$0x20] =	vst v0  }
0x23: {  	[tilespmem:s22+$0x20] =	vst v0  }
0x24: {  	[tilespmem:s22+$0x10] =	vst v0  }
0x25: {  	[tilespmem:s22+$0x0] =	vst v0  }
0x26: {  	[tilespmem:s22+$0xFFFFFFF0] =	vst v0;
	s21 =	simm.s32 $0x0  }
0x27: {  	[tilespmem:s11], [sflag:$0x2] =	stream.linear.gather [hbm4b:s5+s21], $0x4650, $0x38;
	[tilespmem:$0x16900] =	vst v63  }
0x28: {  	_ = 	snop  }
0x29: {  	[tilespmem:s12], [sflag:$0x2] =	stream.linear.gather [hbm4b:s6+s21], $0x4650, $0x38;
	[tilespmem:$0x16900] =	vst v63  }
0x2a: {  	_ =	swait.ge [sflag:s13], $0x4650  }
0x2b: {  	s28 =	simm.s32 $0x4;
	v3 =	vadd.s32 s21, v1;
	[sflag:s13] =	ssyncset.done $0x0  }
0x2c: {  	v4 =	vadd.s32 s28, v1;
	[sflag:s13] =	ssyncadd.s32 $0xFFFFB9B0  }
0x2d: {  	_ =	swait.ge [sflag:s13], $0x4650  }
0x2e: {  	s29 =	simm.s32 $0x2;
	[sflag:s13] =	ssyncset.done $0x0  }
0x2f: {  	v5 =	vadd.s32 s29, v1;
	[sflag:s13] =	ssyncadd.s32 $0xFFFFB9B0  }
0x30: {  	s30 =	simm.s32 $0x1;
	v8 =	vld.idx.msk [tilespmem:v3+s10+$0x0], $0xffff  }
0x31: {  	s31 =	simm.s32 $0x3;
	v6 =	vadd.s32 s30, v1;
	v9 =	vld.idx.msk [tilespmem:v4+s2+$0x0], $0xffff  }
0x32: {  	v10 =	vadd.s32 s31, v1;
	v11 =	vld.idx.msk [tilespmem:v3+s2+$0x0], $0xffff  }
0x33: {  	v13 =	vld.idx.msk [tilespmem:v4+s10+$0x0], $0xffff  }
0x34: {  	v7 =	vld.idx.msk [tilespmem:v5+s10+$0x0], $0xffff  }
0x35: {  	v12 =	vld.idx.msk [tilespmem:v5+s2+$0x0], $0xffff  }
0x36: {  	v3 =	vld.idx.msk [tilespmem:v6+s10+$0x0], $0xffff  }
0x37: {  	v5 =	vld.idx.msk [tilespmem:v10+s2+$0x0], $0xffff  }
0x38: {  	v4 =	vld.idx.msk [tilespmem:v10+s10+$0x0], $0xffff  }
0x39: {  	v6 =	vld.idx.msk [tilespmem:v6+s2+$0x0], $0xffff  }
0x3a: {  	[tilespmem:v8+s14+$0x0] =	vst.idx.add.f32.msk $0xffff, v11  }
0x3b: {  	[tilespmem:v13+s14+$0x0] =	vst.idx.add.f32.msk $0xffff, v9  }
0x3c: {  	[tilespmem:v7+s14+$0x0] =	vst.idx.add.f32.msk $0xffff, v12  }
0x3d: {  	[tilespmem:v8+s15+$0x0] =	vst.idx.add.f32.msk $0xffff, v2  }
0x3e: {  	s21 =	simm.s32 $0x5;
	[tilespmem:v13+s15+$0x0] =	vst.idx.add.f32.msk $0xffff, v2  }
.LBB2_4:
0x3f: {  	s22 =	sadd.s32 $0x1, s21  }
0x40: {  	v8 =	vadd.s32 s21, v1;
	s23 =	sadd.s32 $0x4, s21;
	[tilespmem:v7+s15+$0x0] =	vst.idx.add.f32.msk $0xffff, v2;
	s24 =	smov.u32 s21;
	s25 =	sadd.s32 $0x5, s21  }
0x41: {  	p0 =	slt.u32 s21, $0x460;
	v9 =	vadd.s32 s22, v1;
	s22 =	sadd.s32 $0x2, s24;
	v7 =	vadd.s32 s23, v1;
	[tilespmem:v4+s14+$0x0] =	vst.idx.add.f32.msk $0xffff, v5  }
0x42: {  	s21 =	sadd.s32 $0x3, s24;
	v5 =	vadd.s32 s22, v1;
	[tilespmem:v4+s15+$0x0] =	vst.idx.add.f32.msk $0xffff, v2  }
0x43: {  	v4 =	vadd.s32 s21, v1;
	[tilespmem:v3+s14+$0x0] =	vst.idx.add.f32.msk $0xffff, v6  }
0x44: {  	[tilespmem:v3+s15+$0x0] =	vst.idx.add.f32.msk $0xffff, v2  }
0x45: {  	v10 =	vld.idx.msk [tilespmem:v8+s10+$0x0], $0xffff  }
0x46: {  	v11 =	vld.idx.msk [tilespmem:v7+s2+$0x0], $0xffff  }
0x47: {  	v6 =	vld.idx.msk [tilespmem:v8+s2+$0x0], $0xffff  }
0x48: {  	v8 =	vld.idx.msk [tilespmem:v5+s2+$0x0], $0xffff  }
0x49: {  	v12 =	vld.idx.msk [tilespmem:v7+s10+$0x0], $0xffff  }
0x4a: {  	v7 =	vld.idx.msk [tilespmem:v5+s10+$0x0], $0xffff  }
0x4b: {  	v3 =	vld.idx.msk [tilespmem:v9+s10+$0x0], $0xffff  }
0x4c: {  	v5 =	vld.idx.msk [tilespmem:v4+s2+$0x0], $0xffff  }
0x4d: {  	v4 =	vld.idx.msk [tilespmem:v4+s10+$0x0], $0xffff  }
0x4e: {  	[tilespmem:v10+s14+$0x0] =	vst.idx.add.f32.msk $0xffff, v6  }
.Ltmp1:
0x4f: {  	v6 =	vld.idx.msk [tilespmem:v9+s2+$0x0], $0xffff;
	(pc) =	sbr.rel @p0 .LBB2_4-.Ltmp1, $4  }
0x50: {  	[tilespmem:v10+s15+$0x0] =	vst.idx.add.f32.msk $0xffff, v2  }
0x51: {  	[tilespmem:v12+s14+$0x0] =	vst.idx.add.f32.msk $0xffff, v11  }
0x52: {  	[tilespmem:v12+s15+$0x0] =	vst.idx.add.f32.msk $0xffff, v2  }
0x53: {  	s21 =	smov.u32 s25;
	[tilespmem:v7+s14+$0x0] =	vst.idx.add.f32.msk $0xffff, v8  }
0x54: {  	_ =	sdelay $0x3  }
0x55: {  	[tilespmem:v7+s15+$0x0] =	vst.idx.add.f32.msk $0xffff, v2  }
0x56: {  	[tilespmem:v4+s14+$0x0] =	vst.idx.add.f32.msk $0xffff, v5  }
0x57: {  	[tilespmem:v3+s14+$0x0] =	vst.idx.add.f32.msk $0xffff, v6  }
0x58: {  	[tilespmem:v4+s15+$0x0] =	vst.idx.add.f32.msk $0xffff, v2  }
0x59: {  	s21 =	simm.s32 $0x0;
	[tilespmem:v3+s15+$0x0] =	vst.idx.add.f32.msk $0xffff, v2  }
0x5a: {  	[tilespmem:s21], [sflag:$0x1] =	stream.linear.gather [hbm4b:s5+s21], $0x4650, $0x38;
	[tilespmem:$0x16900] =	vst v63  }
0x5b: {  	_ = 	snop  }
0x5c: {  	[tilespmem:s10], [sflag:$0x1] =	stream.linear.gather [hbm4b:s6+s21], $0x4650, $0x38;
	[tilespmem:$0x16900] =	vst v63  }
0x5d: {  	_ =	swait.ge [sflag:s16], $0x4650  }
0x5e: {  	s28 =	simm.s32 $0x4;
	v3 =	vadd.s32 s21, v1;
	[sflag:s16] =	ssyncset.done $0x0  }
0x5f: {  	v4 =	vadd.s32 s28, v1;
	[sflag:s16] =	ssyncadd.s32 $0xFFFFB9B0  }
0x60: {  	_ =	swait.ge [sflag:s16], $0x4650  }
0x61: {  	s29 =	simm.s32 $0x2;
	[sflag:s16] =	ssyncset.done $0x0  }
0x62: {  	v5 =	vadd.s32 s29, v1;
	[sflag:s16] =	ssyncadd.s32 $0xFFFFB9B0  }
0x63: {  	s30 =	simm.s32 $0x1;
	v8 =	vld.idx.msk [tilespmem:v3+s12+$0x0], $0xffff  }
0x64: {  	s31 =	simm.s32 $0x3;
	v6 =	vadd.s32 s30, v1;
	v9 =	vld.idx.msk [tilespmem:v4+s11+$0x0], $0xffff  }
0x65: {  	v10 =	vadd.s32 s31, v1;
	v11 =	vld.idx.msk [tilespmem:v3+s11+$0x0], $0xffff  }
0x66: {  	v13 =	vld.idx.msk [tilespmem:v4+s12+$0x0], $0xffff  }
0x67: {  	v7 =	vld.idx.msk [tilespmem:v5+s12+$0x0], $0xffff  }
0x68: {  	v12 =	vld.idx.msk [tilespmem:v5+s11+$0x0], $0xffff  }
0x69: {  	v3 =	vld.idx.msk [tilespmem:v6+s12+$0x0], $0xffff  }
0x6a: {  	v5 =	vld.idx.msk [tilespmem:v10+s11+$0x0], $0xffff  }
0x6b: {  	v4 =	vld.idx.msk [tilespmem:v10+s12+$0x0], $0xffff  }
0x6c: {  	v6 =	vld.idx.msk [tilespmem:v6+s11+$0x0], $0xffff  }
0x6d: {  	[tilespmem:v8+s14+$0x0] =	vst.idx.add.f32.msk $0xffff, v11  }
0x6e: {  	[tilespmem:v13+s14+$0x0] =	vst.idx.add.f32.msk $0xffff, v9  }
0x6f: {  	[tilespmem:v7+s14+$0x0] =	vst.idx.add.f32.msk $0xffff, v12  }
0x70: {  	[tilespmem:v8+s15+$0x0] =	vst.idx.add.f32.msk $0xffff, v2  }
0x71: {  	s21 =	simm.s32 $0x5;
	[tilespmem:v13+s15+$0x0] =	vst.idx.add.f32.msk $0xffff, v2  }
.LBB2_6:
0x72: {  	s22 =	sadd.s32 $0x1, s21  }
0x73: {  	v8 =	vadd.s32 s21, v1;
	s23 =	sadd.s32 $0x4, s21;
	[tilespmem:v7+s15+$0x0] =	vst.idx.add.f32.msk $0xffff, v2;
	s24 =	smov.u32 s21;
	s25 =	sadd.s32 $0x5, s21  }
0x74: {  	p0 =	slt.u32 s21, $0x460;
	v9 =	vadd.s32 s22, v1;
	s22 =	sadd.s32 $0x2, s24;
	v7 =	vadd.s32 s23, v1;
	[tilespmem:v4+s14+$0x0] =	vst.idx.add.f32.msk $0xffff, v5  }
0x75: {  	s21 =	sadd.s32 $0x3, s24;
	v5 =	vadd.s32 s22, v1;
	[tilespmem:v4+s15+$0x0] =	vst.idx.add.f32.msk $0xffff, v2  }
0x76: {  	v4 =	vadd.s32 s21, v1;
	[tilespmem:v3+s14+$0x0] =	vst.idx.add.f32.msk $0xffff, v6  }
0x77: {  	[tilespmem:v3+s15+$0x0] =	vst.idx.add.f32.msk $0xffff, v2  }
0x78: {  	v10 =	vld.idx.msk [tilespmem:v8+s12+$0x0], $0xffff  }
0x79: {  	v11 =	vld.idx.msk [tilespmem:v7+s11+$0x0], $0xffff  }
0x7a: {  	v6 =	vld.idx.msk [tilespmem:v8+s11+$0x0], $0xffff  }
0x7b: {  	v8 =	vld.idx.msk [tilespmem:v5+s11+$0x0], $0xffff  }
0x7c: {  	v12 =	vld.idx.msk [tilespmem:v7+s12+$0x0], $0xffff  }
0x7d: {  	v7 =	vld.idx.msk [tilespmem:v5+s12+$0x0], $0xffff  }
0x7e: {  	v3 =	vld.idx.msk [tilespmem:v9+s12+$0x0], $0xffff  }
0x7f: {  	v5 =	vld.idx.msk [tilespmem:v4+s11+$0x0], $0xffff  }
0x80: {  	v4 =	vld.idx.msk [tilespmem:v4+s12+$0x0], $0xffff  }
0x81: {  	[tilespmem:v10+s14+$0x0] =	vst.idx.add.f32.msk $0xffff, v6  }
.Ltmp2:
0x82: {  	v6 =	vld.idx.msk [tilespmem:v9+s11+$0x0], $0xffff;
	(pc) =	sbr.rel @p0 .LBB2_6-.Ltmp2, $4  }
0x83: {  	[tilespmem:v10+s15+$0x0] =	vst.idx.add.f32.msk $0xffff, v2  }
0x84: {  	[tilespmem:v12+s14+$0x0] =	vst.idx.add.f32.msk $0xffff, v11  }
0x85: {  	[tilespmem:v12+s15+$0x0] =	vst.idx.add.f32.msk $0xffff, v2  }
0x86: {  	s21 =	smov.u32 s25;
	[tilespmem:v7+s14+$0x0] =	vst.idx.add.f32.msk $0xffff, v8  }
0x87: {  	_ =	sdelay $0x3  }
0x88: {  	[tilespmem:v7+s15+$0x0] =	vst.idx.add.f32.msk $0xffff, v2  }
0x89: {  	[tilespmem:v4+s14+$0x0] =	vst.idx.add.f32.msk $0xffff, v5  }
0x8a: {  	[tilespmem:v3+s14+$0x0] =	vst.idx.add.f32.msk $0xffff, v6  }
0x8b: {  	[tilespmem:v4+s15+$0x0] =	vst.idx.add.f32.msk $0xffff, v2  }
0x8c: {  	[tilespmem:v3+s15+$0x0] =	vst.idx.add.f32.msk $0xffff, v2  }
0x8d: {  	_ =	swait.ge [sflag:s13], $0x4650  }
0x8e: {  	[sflag:s13] =	ssyncset.done $0x0  }
0x8f: {  	[sflag:s13] =	ssyncadd.s32 $0xFFFFB9B0  }
0x90: {  	_ =	swait.ge [sflag:s13], $0x4650  }
0x91: {  	[sflag:s13] =	ssyncset.done $0x0  }
0x92: {  	[sflag:s13] =	ssyncadd.s32 $0xFFFFB9B0  }
0x93: {  	[hbm4b:s7+s17] =	stream.strided.scatter [tilespmem:s14], [sflag:$0x3], $0x2780, s18, s17, $0x38;
	[tilespmem:$0x16900] =	vst v63  }
0x94: {  	s20 =	sadd.s32 $0x1, s20;
	_ =	swait.ge [sflag:s19], $0x2780  }
0x95: {  	p0 =	sne.s32 s20, s9;
	[sflag:s19] =	ssyncset.done $0x0  }
.Ltmp3:
0x96: {  	[sflag:s19] =	ssyncadd.s32 $0xFFFFD880;
	(pc) =	sbr.rel @p0 .LBB2_1-.Ltmp3, $4  }
0x97: {  	[hbm4b:s8+s17] =	stream.strided.scatter [tilespmem:s15], [sflag:$0x3], $0x2780, s18, s17, $0x38;
	[tilespmem:$0x16900] =	vst v63  }
0x98: {  	_ =	swait.ge [sflag:s19], $0x2780  }
0x99: {  	[sflag:s19] =	ssyncset.done $0x0  }
0x9a: {  	[sflag:s19] =	ssyncadd.s32 $0xFFFFD880  }
0x9b: {  	_ =	sfence.sel $0x180000  }
0x9c: {  	[bflag:$0x0] =	sbarrier.arrive $0xFFFF  }
0x9d: {  	p0 =	sne.s32 s0, $0x0;
	_ =	strace $0x9000004A  }
0x9e: {  	s0 =	sadd.s32 @!p0 $0x100000, s1;
	[bflag:$0x2] =	sbarrier.arrive $0xFFFF  }
0x9f: {  	[sflag:s0] =	ssyncadd.tile.s32 @!p0 $0x1;
	_ =	shalt  }
.Lfunc_end2:
_tile_overlayer_lowered:
.L_overlay_start_2:
0xa0: {  	(tag) =	ssettag $0x2  }
0xa1: {  	s0 =	rddreg [dreg:$0x0];
	s2 =	stileid.u32  }
0xa2: {  	s1 =	rddreg [dreg:$0x1];
	p0 =	sne.s32 s2, $0x0  }
0xa3: {  	s3 =	rddreg [dreg:$0x2];
	[bflag:$0x3] =	sbarrier.arrive $0xFFFF;
	s2 =	simm.s32 @!p0 $0x1C03  }
0xa4: {  	[timem:s3], [sflag:s2] =	dma.local @!p0 [hbm:s0], s1  }
0xa5: {  	s0 =	simm.s32 @!p0 $0x3  }
0xa6: {  	_ =	swait.ge @!p0 [sflag:s0], s1  }
0xa7: {  	s1 =	ssub.s32 @!p0 $0x0, s1;
	[sflag:s0] =	ssyncset.done @!p0 $0x0  }
0xa8: {  	[sflag:s0] =	ssyncadd.s32 @!p0 s1  }
0xa9: {  	[bflag:$0x3] =	sbarrier.arrive $0xFFFF  }
0xaa: {  	_ =	shalt  }

// kernel: kernel.9.cloned.1.call-start
scs
__scs_entry_jumppad:
0x0: {  	(pc) =	sbr.rel $0x88, $3  }
0x1: {  	(tag) =	ssettag $0x0;
	lr =	simm.s32 $0x1  }
0x2: {  	[smem:$0x3F9E] =	sst lr;
	_ =	strace $0xD0000000  }
0x3: {  	_ = 	snop  }
0x4: {  	_ = 	snop  }
0x5: {  	_ = 	snop  }
0x6: {  	_ = 	snop  }
0x7: {  	_ = 	snop  }
__scs_overlays_trampoline_lowered:
0x8: {  	[smem:$0x3FAD] =	sst s0  }
0x9: {  	[smem:$0x3FAE] =	sst s1  }
0xa: {  	[smem:$0x3FAF] =	sst s2  }
0xb: {  	[smem:$0x3FB0] =	sst s3  }
0xc: {  	[smem:$0x3FB1] =	sst s4  }
0xd: {  	[smem:$0x3FB2] =	sst s5  }
0xe: {  	[smem:$0x3FB3] =	sst s6  }
0xf: {  	[smem:$0x3FB4] =	sst s7  }
0x10: {  	[smem:$0x3FB5] =	sst s8  }
0x11: {  	[smem:$0x3FB6] =	sst s9;
	s0 =	simm.s32 @!p0 $0x0  }
0x12: {  	s1 =	sld [smem:$0x3F9C];
	s0 =	simm.s32 @p0 $0x1  }
0x13: {  	[smem:$0x3FB7] =	sst s0;
	s0 =	simm.s32 @!p1 $0x0  }
0x14: {  	s2 =	sld [smem:$0x3F9B];
	s0 =	simm.s32 @p1 $0x1  }
0x15: {  	[smem:$0x3FB8] =	sst s0;
	s0 =	simm.s32 @!p2 $0x0  }
0x16: {  	s3 =	sld [smem:$0x3FDB];
	s0 =	simm.s32 @p2 $0x1  }
0x17: {  	s4 =	simm.s32 $0x1BF5;
	[smem:$0x3FBA] =	sst s0  }
0x18: {  	s0 =	sld [smem:$0x3F9D];
	_ =	swait.ge [sflag:s4], $0x0  }
0x19: {  	s7 =	sld [smem:$0x3F9E]  }
0x1a: {  	s8 =	sadd.s32 $0xFFFFE003, lr  }
0x1b: {  	s9 =	sadd.s32 $0xFFFFFEF7, lr;
	s5 =	simm.s32 $0xFFFFFFFF;
	p2 =	slt.u32 s8, $0xFFFFF086  }
0x1c: {  	p1 =	slt.u32 s9, $0xF7A;
	s5 =	simm.s32 @!p2 $0x0  }
0x1d: {  	s5 =	simm.s32 @p1 $0x1;
	p0 =	seq.s32 s7, s2  }
0x1e: {  	s7 =	smul.u32 @!p0 $0xF7A, s2;
	p2 =	seq.s32 @!p0 s5, $0x0  }
0x1f: {  	s9 =	smul.u32 $0xF7A, s1;
	s8 =	simm.s32 @!p0 $0x1BF5;
	p2 =	por !p2, p0  }
0x20: {  	[sflag:s8] =	ssyncset.s32 @!p0 $0xFFFFF086;
	s6 =	sadd.s32 @!p0 s3, s7;
	s7 =	simm.s32 @!p0 $0x108  }
0x21: {  	s3 =	sadd.s32 s3, s9;
	s6 =	sadd.s32 @!p0 $0x88, s6;
	s7 =	simm.s32 @p2 $0x1082  }
0x22: {  	[simem:s7], [sflag:s8] =	dma.local @!p0 [hbm:s6], $0xF7A  }
0x23: {  	s9 =	sor.u32 $0xD0000000, s2;
	s6 =	simm.s32 $0x108;
	_ =	swait.ge @!p0 [sflag:s8], $0x0  }
0x24: {  	s3 =	sadd.s32 $0x88, s3;
	s6 =	simm.s32 @!p1 $0x1082;
	[sflag:s4] =	ssyncset.s32 $0xFFFFF086  }
0x25: {  	[simem:s6], [sflag:s4] =	dma.local [hbm:s3], $0xF7A  }
0x26: {  	[smem:$0x3F9E] =	sst s1;
	(tag) =	ssettag s2;
	_ =	strace s9  }
0x27: {  	s1 =	sld [smem:$0x3FAE]  }
0x28: {  	s2 =	sld [smem:$0x3FAF]  }
0x29: {  	s4 =	sld [smem:$0x3FB1]  }
0x2a: {  	p0 =	seq.s32 s5, $0x0;
	s5 =	sld [smem:$0x3FB2]  }
0x2b: {  	s6 =	sld [smem:$0x3FB3]  }
0x2c: {  	s7 =	sld [smem:$0x3FB4]  }
0x2d: {  	s3 =	simm.s32 $0x108;
	s8 =	sld [smem:$0x3FB5]  }
0x2e: {  	s3 =	simm.s32 @!p0 $0x1082;
	s9 =	sld [smem:$0x3FB6]  }
0x2f: {  	lr =	sadd.s32 s0, s3;
	s0 =	sld [smem:$0x3FAD]  }
0x30: {  	s3 =	sld [smem:$0x3FB0]  }
0x31: {  	[smem:$0x3FB9] =	sst s10  }
0x32: {  	s10 =	sld [smem:$0x3FB7];
	_ =	sdelay $0x3  }
0x33: {  	p0 =	seq.s32 s10, $0x1;
	s10 =	sld [smem:$0x3FB9];
	_ =	sdelay $0x3  }
0x34: {  	[smem:$0x3FB9] =	sst s10  }
0x35: {  	s10 =	sld [smem:$0x3FB8];
	_ =	sdelay $0x3  }
0x36: {  	p1 =	seq.s32 s10, $0x1;
	s10 =	sld [smem:$0x3FB9];
	_ =	sdelay $0x3  }
0x37: {  	[smem:$0x3FB9] =	sst s10  }
0x38: {  	s10 =	sld [smem:$0x3FBA]  }
0x39: {  	_ = 	snop;
	(pc) =	sbr.ind lr, $3  }
0x3a: {  	_ = 	snop  }
0x3b: {  	_ = 	snop  }
0x3c: {  	p2 =	seq.s32 s10, $0x1;
	s10 =	sld [smem:$0x3FB9]  }
0x3d: {  	_ =	shalt  }
0x3e: {  	_ =	shalt  }
0x3f: {  	_ =	shalt  }
0x40: {  	_ =	shalt  }
0x41: {  	_ =	shalt  }
0x42: {  	_ =	shalt  }
0x43: {  	_ =	shalt  }
0x44: {  	_ =	shalt  }
0x45: {  	_ =	shalt  }
0x46: {  	_ =	shalt  }
0x47: {  	_ =	shalt  }
0x48: {  	_ =	shalt  }
0x49: {  	_ =	shalt  }
0x4a: {  	_ =	shalt  }
0x4b: {  	_ =	shalt  }
0x4c: {  	_ =	shalt  }
0x4d: {  	_ =	shalt  }
0x4e: {  	_ =	shalt  }
0x4f: {  	_ =	shalt  }
0x50: {  	_ =	shalt  }
0x51: {  	_ =	shalt  }
0x52: {  	_ =	shalt  }
0x53: {  	_ =	shalt  }
0x54: {  	_ =	shalt  }
0x55: {  	_ =	shalt  }
0x56: {  	_ =	shalt  }
0x57: {  	_ =	shalt  }
0x58: {  	_ =	shalt  }
0x59: {  	_ =	shalt  }
0x5a: {  	_ =	shalt  }
0x5b: {  	_ =	shalt  }
0x5c: {  	_ =	shalt  }
0x5d: {  	_ =	shalt  }
0x5e: {  	_ =	shalt  }
0x5f: {  	_ =	shalt  }
0x60: {  	_ =	shalt  }
0x61: {  	_ =	shalt  }
0x62: {  	_ =	shalt  }
0x63: {  	_ =	shalt  }
0x64: {  	_ =	shalt  }
0x65: {  	_ =	shalt  }
0x66: {  	_ =	shalt  }
0x67: {  	_ =	shalt  }
0x68: {  	_ =	shalt  }
0x69: {  	_ =	shalt  }
0x6a: {  	_ =	shalt  }
0x6b: {  	_ =	shalt  }
0x6c: {  	_ =	shalt  }
0x6d: {  	_ =	shalt  }
0x6e: {  	_ =	shalt  }
0x6f: {  	_ =	shalt  }
0x70: {  	_ =	shalt  }
0x71: {  	_ =	shalt  }
0x72: {  	_ =	shalt  }
0x73: {  	_ =	shalt  }
0x74: {  	_ =	shalt  }
0x75: {  	_ =	shalt  }
0x76: {  	_ =	shalt  }
0x77: {  	_ =	shalt  }
0x78: {  	_ =	shalt  }
0x79: {  	_ =	shalt  }
0x7a: {  	_ =	shalt  }
0x7b: {  	_ =	shalt  }
0x7c: {  	_ =	shalt  }
0x7d: {  	_ =	shalt  }
0x7e: {  	_ =	shalt  }
0x7f: {  	_ =	shalt  }
0x80: {  	_ =	shalt  }
0x81: {  	_ =	shalt  }
0x82: {  	_ =	shalt  }
0x83: {  	_ =	shalt  }
0x84: {  	_ =	shalt  }
0x85: {  	_ =	shalt  }
0x86: {  	_ =	shalt  }
0x87: {  	_ =	shalt  }
.Lfunc_end0:
.L_simem_size_0:
called_computation_lowered:
.L_overlay_start_0:
0x88: {  	s2 =	sld [smem:$0x3FD9]  }
0x89: {  	s3 =	sld [smem:$0x3FFE];
	_ =	sdelay $0x1  }
0x8a: {  	s1 =	srdreg.scid  }
0x8b: {  	s0 =	sand.u32 $0x1, s1  }
0x8c: {  	s17 =	sshll.u32 s0, $0xA;
	s2 =	sadd.s32 s3, s2  }
0x8d: {  	s2 =	sadd.s32 s2, s17  }
0x8e: {  	[smem:$0x3FC5] =	sst s2  }
0x8f: {  	_ = 	snop  }
0x90: {  	s18 =	sld [smem:$0x3FC7];
	(tm) =	ssettm $0x1  }
0x91: {  	s19 =	sld [smem:$0x3FFB];
	_ =	sdelay $0x3  }
0x92: {  	_ =	strace s19  }
0x93: {  	s2 =	sld [smem:$0x3FFC];
	_ =	sdelay $0x3  }
0x94: {  	_ =	strace s2  }
0x95: {  	s2 =	sld [smem:$0x3FFD];
	_ =	sdelay $0x3  }
0x96: {  	_ =	strace s2  }
0x97: {  	_ =	strace $0x8FFFFFFF  }
0x98: {  	s20 =	sld [smem:$0x3FDB];
	_ =	sdelay $0x1  }
0x99: {  	s4 =	simm.s32 $_scs_section_size  }
0x9a: {  	s5 =	simm.s32 $_size__tile_overlayer_lowered;
	s6 =	simm.s32 $_tile_overlayer_lowered  }
0x9b: {  	s7 =	simm.s32 $0x1BFF;
	s21 =	sshll.u32 s6, $0x1;
	s4 =	sadd.s32 s4, s20  }
0x9c: {  	s22 =	simm.s32 $0x0;
	s5 =	sshll.u32 s5, $0x1;
	s6 =	sadd.s32 s21, s4  }
0x9d: {  	[timem:s22], [sflag:s7] =	dma.local [hbm:s6], s5  }
0x9e: {  	_ =	swait.ge [sflag:s7], s5  }
0x9f: {  	s5 =	ssub.s32 $0x0, s5;
	[sflag:s7] =	ssyncset.done $0x0  }
0xa0: {  	[sflag:s7] =	ssyncadd.s32 s5;
	_ =	sdelay $0x1  }
0xa1: {  	s23 =	simm.s32 $0x1B8B  }
0xa2: {  	_ =	swait.ge [sflag:s23], $0x1  }
0xa3: {  	[sflag:s23] =	ssyncset.done $0x0  }
0xa4: {  	[sflag:s23] =	ssyncadd.s32 $0xFFFFFFFF  }
0xa5: {  	s5 =	sld [smem:$0x0]  }
0xa6: {  	s6 =	sand.u32 $0xFFFFFFFE, s1  }
0xa7: {  	p0 =	sne.s32 s1, s6  }
0xa8: {  	s6 =	sshll.u32 @p0 s6, $0xE  }
0xa9: {  	s6 =	sadd.s32 @p0 $0x11B8D, s6;
	s7 =	sshll.u32 @p0 s5, $0x11  }
0xaa: {  	s6 =	sor.u32 @p0 s7, s6  }
0xab: {  	[sflag:s6] =	ssyncadd.remote.s32 @p0 $0x1;
	_ =	sdelay $0x1  }
0xac: {  	s6 =	simm.s32 @p0 $0x1B8D  }
0xad: {  	_ =	swait.eq @p0 [sflag:s6], $0x1  }
0xae: {  	[sflag:s6] =	ssyncadd.s32 @p0 $0xFFFFFFFF  }
0xaf: {  	s7 =	sshll.u32 @!p0 s1, $0xE  }
0xb0: {  	s7 =	sor.u32 @!p0 $0x4000, s7;
	s6 =	simm.s32 @!p0 $0x1B8D  }
0xb1: {  	s5 =	sshll.u32 @!p0 s5, $0x11;
	s7 =	sadd.s32 @!p0 $0x11B8D, s7;
	_ =	swait.eq @!p0 [sflag:s6], $0x1  }
0xb2: {  	s5 =	sor.u32 @!p0 s5, s7;
	[sflag:s6] =	ssyncadd.s32 @!p0 $0xFFFFFFFF  }
0xb3: {  	s25 =	simm.s32 $0x1B8E;
	s24 =	sld [smem:$0x3FFE];
	[sflag:s5] =	ssyncadd.remote.s32 @!p0 $0x1  }
0xb4: {  	s26 =	simm.s32 $execute0_lowered;
	[smem:$0x3FD2] =	sst s25  }
0xb5: {  	s6 =	sshll.u32 s26, $0x1;
	_ =	strace $0x8000004C;
	[dreg:$0x1] =	wrdreg $0xFFFFFFFF  }
0xb6: {  	s28 =	simm.s32 $_size_execute0_lowered;
	s4 =	sadd.s32 s4, s6;
	[dreg:$0x0] =	wrdreg $0x0  }
0xb7: {  	s6 =	sshll.u32 s28, $0x1;
	[dreg:$0x2] =	wrdreg s4  }
0xb8: {  	[dreg:$0x3] =	wrdreg s6  }
0xb9: {  	[dreg:$0x4] =	wrdreg $0xC0  }
0xba: {  	_ =	task [dreg:s22], $0x5FFFF  }
0xbb: {  	[dreg:$0x1] =	wrdreg $0xFFFFFFFF  }
0xbc: {  	[dreg:$0x0] =	wrdreg $0x60  }
0xbd: {  	[dreg:$0x2] =	wrdreg s24  }
0xbe: {  	[dreg:$0x3] =	wrdreg s18  }
0xbf: {  	[dreg:$0x4] =	wrdreg $0x9  }
0xc0: {  	_ =	task.clear_ibuf [dreg:s22], $0x5FFFF;
	_ =	strace $0x9000004C  }
0xc1: {  	s29 =	simm.s32 $0x9;
	_ =	strace $0x8000004E  }
0xc2: {  	_ =	swait.ge [sflag:s29], $0x1  }
0xc3: {  	[sflag:s29] =	ssyncadd.s32 $0xFFFFFFFF  }
0xc4: {  	_ =	strace $0x9000004E  }
0xc5: {  	_ =	sfence  }
0xc6: {  	s30 =	sld [smem:$0x0];
	_ =	sdelay $0x2  }
0xc7: {  	s31 =	sshll.u32 s1, $0xD;
	s1 =	sshrl.u32 s1, $0x2  }
0xc8: {  	s4 =	sand.u32 $0x4000, s31;
	s1 =	sadd.s32 s1, s30  }
0xc9: {  	s0 =	sor.u32 s4, s0;
	s1 =	sshll.u32 s1, $0x11  }
0xca: {  	s0 =	sor.u32 s1, s0  }
0xcb: {  	s0 =	sadd.s32 $0x8F2B, s0  }
0xcc: {  	[sflag:s0] =	ssyncadd.remote.s32 $0x1  }
0xcd: {  	_ =	sfence.sel $0xFFFF  }
0xce: {  	[dreg:$0x0] =	wrdreg $0xFFFFFFFF;
	(pc) =	sbr.abs _section_cstart, $3  }
0xcf: {  	[dreg:$0x1] =	wrdreg $0xFFFFFFFF  }
0xd0: {  	_ =	task.clear_ibuf [dreg:s22], $0x2FFFF;
	_ =	strace $0x9FFFFFFF  }
0xd1: {  	(tm) =	ssettm $0x7FFFFFFF  }
tec
execute0_lowered:
.L_overlay_start_1:
0x0: {  	(tag) =	ssettag $0x1  }
0x1: {  	s3 =	rddreg [dreg:$0x0]  }
0x2: {  	s6 =	rddreg [dreg:$0x1]  }
0x3: {  	s2 =	srdreg.scid;
	s1 =	stileid.u32  }
0x4: {  	s0 =	rddreg [dreg:$0x2];
	s12 =	simm.s32 $0xA500;
	s13 =	simm.s32 $0x1  }
0x5: {  	s14 =	simm.s32 $0xDC00;
	s15 =	simm.s32 $0x10380;
	s16 =	simm.s32 $0x2  }
0x6: {  	s17 =	simm.s32 $0x80;
	s18 =	simm.s32 $0x400;
	s19 =	simm.s32 $0x3  }
0x7: {  	s20 =	simm.s32 $0x0;
	s4 =	sand.u32 $0x1, s2;
	s5 =	sshll.u32 s1, $0x1  }
0x8: {  	s2 =	simm.s32 $0x0;
	s7 =	sshrl.u32 s1, $0x2;
	s9 =	sadd.s32 $0x70C00, s3  }
0x9: {  	s5 =	sor.u32 s4, s5;
	[smem:$0x7FF] =	sst s2;
	s7 =	smul.u32 $0x13C00, s7  }
0xa: {  	s4 =	ssub.s32 $0x2, s4;
	s8 =	sshll.u32 s5, $0x7;
	s5 =	smul.u32 $0x6D60, s5  }
0xb: {  	_ =	strace $0x8000004D;
	s30 =	sshrl.u32 s4, $0x1;
	s8 =	sand.u32 $0x380, s8  }
0xc: {  	s11 =	ssub.s32 s4, s30;
	s7 =	sor.u32 s7, s8;
	s5 =	sshrl.u32 s5, $0x3  }
0xd: {  	s7 =	sshrl.u32 s7, $0x3;
	s31 =	sadd.s32 $0x6D6, s5;
	s4 =	sadd.s32 s6, s5  }
0xe: {  	s10 =	sadd.s32 s7, s3;
	s3 =	sadd.s32 s9, s5;
	s5 =	sadd.s32 s9, s31  }
0xf: {  	v1 =	vlaneseq.u32;
	s6 =	sadd.s32 s6, s31;
	s9 =	smax.u32 s11, $0x1;
	s11 =	simm.s32 $0x6E00  }
0x10: {  	v0 =	vimm.f32 $0.0e+00;
	v2 =	vimm.f32 $1.000000000e+00;
	v1 =	vmul.u32 $0x36B, v1;
	s7 =	sadd.s32 $0x8C200, s10;
	s8 =	sadd.s32 $0x96000, s10;
	s10 =	simm.s32 $0x3700  }
.LBB2_1:
0x11: {  	[tilespmem:s2], [sflag:$0x1] =	stream.linear.gather [hbm4b:s3+s2], $0x36B0, $0x38;
	[tilespmem:$0x12B00] =	vst v63  }
0x12: {  	s21 =	simm.s32 $0xDC20  }
0x13: {  	[tilespmem:s10], [sflag:$0x1] =	stream.linear.gather [hbm4b:s4+s2], $0x36B0, $0x38;
	[tilespmem:$0x12B00] =	vst v63  }
0x14: {  	[tilespmem:s21+$0xFFFFFFF0] =	vst v0  }
0x15: {  	[tilespmem:s21+$0xFFFFFFE0] =	vst v0  }
0x16: {  	[tilespmem:s21+$0x0] =	vst v0  }
0x17: {  	[tilespmem:s21+$0x10] =	vst v0  }
0x18: {  	s22 =	simm.s32 $0x103A0;
	[tilespmem:s21+$0x20] =	vst v0  }
0x19: {  	[tilespmem:s22+$0xFFFFFFE0] =	vst v0  }
0x1a: {  	[tilespmem:s22+$0x20] =	vst v0  }
0x1b: {  	[tilespmem:s22+$0x10] =	vst v0  }
0x1c: {  	s23 =	simm.s32 $0x0;
	[tilespmem:s22+$0x0] =	vst v0  }
.LBB2_2:
0x1d: {  	s23 =	sadd.s32 $0x5, s23;
	[tilespmem:s22+$0xFFFFFFF0] =	vst v0;
	s21 =	sadd.s32 $0x50, s21;
	s22 =	sadd.s32 $0x50, s22  }
0x1e: {  	[tilespmem:s21+$0xFFFFFFF0] =	vst v0;
	p0 =	slt.u32 s23, $0x26C  }
0x1f: {  	[tilespmem:s21+$0xFFFFFFE0] =	vst v0  }
0x20: {  	[tilespmem:s22+$0xFFFFFFE0] =	vst v0  }
0x21: {  	[tilespmem:s21+$0x0] =	vst v0  }
.Ltmp0:
0x22: {  	[tilespmem:s21+$0x10] =	vst v0;
	(pc) =	sbr.rel @p0 .LBB2_2-.Ltmp0, $4  }
0x23: {  	[tilespmem:s21+$0x20] =	vst v0  }
0x24: {  	[tilespmem:s22+$0x20] =	vst v0  }
0x25: {  	[tilespmem:s22+$0x10] =	vst v0  }
0x26: {  	[tilespmem:s22+$0x0] =	vst v0  }
0x27: {  	[tilespmem:s22+$0xFFFFFFF0] =	vst v0;
	s21 =	simm.s32 $0x0  }
0x28: {  	[tilespmem:s11], [sflag:$0x2] =	stream.linear.gather [hbm4b:s5+s21], $0x36B0, $0x38;
	[tilespmem:$0x12B00] =	vst v63  }
0x29: {  	_ = 	snop  }
0x2a: {  	[tilespmem:s12], [sflag:$0x2] =	stream.linear.gather [hbm4b:s6+s21], $0x36B0, $0x38;
	[tilespmem:$0x12B00] =	vst v63  }
0x2b: {  	_ =	swait.ge [sflag:s13], $0x36B0  }
0x2c: {  	s28 =	simm.s32 $0x4;
	v3 =	vadd.s32 s21, v1;
	[sflag:s13] =	ssyncset.done $0x0  }
0x2d: {  	v4 =	vadd.s32 s28, v1;
	[sflag:s13] =	ssyncadd.s32 $0xFFFFC950  }
0x2e: {  	_ =	swait.ge [sflag:s13], $0x36B0  }
0x2f: {  	s29 =	simm.s32 $0x2;
	[sflag:s13] =	ssyncset.done $0x0  }
0x30: {  	v5 =	vadd.s32 s29, v1;
	[sflag:s13] =	ssyncadd.s32 $0xFFFFC950  }
0x31: {  	s30 =	simm.s32 $0x1;
	v8 =	vld.idx.msk [tilespmem:v3+s10+$0x0], $0xffff  }
0x32: {  	s31 =	simm.s32 $0x3;
	v6 =	vadd.s32 s30, v1;
	v9 =	vld.idx.msk [tilespmem:v4+s2+$0x0], $0xffff  }
0x33: {  	v10 =	vadd.s32 s31, v1;
	v11 =	vld.idx.msk [tilespmem:v3+s2+$0x0], $0xffff  }
0x34: {  	v13 =	vld.idx.msk [tilespmem:v4+s10+$0x0], $0xffff  }
0x35: {  	v7 =	vld.idx.msk [tilespmem:v5+s10+$0x0], $0xffff  }
0x36: {  	v12 =	vld.idx.msk [tilespmem:v5+s2+$0x0], $0xffff  }
0x37: {  	v3 =	vld.idx.msk [tilespmem:v6+s10+$0x0], $0xffff  }
0x38: {  	v5 =	vld.idx.msk [tilespmem:v10+s2+$0x0], $0xffff  }
0x39: {  	v4 =	vld.idx.msk [tilespmem:v10+s10+$0x0], $0xffff  }
0x3a: {  	v6 =	vld.idx.msk [tilespmem:v6+s2+$0x0], $0xffff  }
0x3b: {  	[tilespmem:v8+s14+$0x0] =	vst.idx.add.f32.msk $0xffff, v11  }
0x3c: {  	[tilespmem:v13+s14+$0x0] =	vst.idx.add.f32.msk $0xffff, v9  }
0x3d: {  	[tilespmem:v7+s14+$0x0] =	vst.idx.add.f32.msk $0xffff, v12  }
0x3e: {  	[tilespmem:v8+s15+$0x0] =	vst.idx.add.f32.msk $0xffff, v2  }
0x3f: {  	s21 =	simm.s32 $0x5;
	[tilespmem:v13+s15+$0x0] =	vst.idx.add.f32.msk $0xffff, v2  }
.LBB2_4:
0x40: {  	s22 =	sadd.s32 $0x1, s21  }
0x41: {  	v8 =	vadd.s32 s21, v1;
	s23 =	sadd.s32 $0x4, s21;
	[tilespmem:v7+s15+$0x0] =	vst.idx.add.f32.msk $0xffff, v2;
	s24 =	smov.u32 s21;
	s25 =	sadd.s32 $0x5, s21  }
0x42: {  	p0 =	slt.u32 s21, $0x366;
	v9 =	vadd.s32 s22, v1;
	s22 =	sadd.s32 $0x2, s24;
	v7 =	vadd.s32 s23, v1;
	[tilespmem:v4+s14+$0x0] =	vst.idx.add.f32.msk $0xffff, v5  }
0x43: {  	s21 =	sadd.s32 $0x3, s24;
	v5 =	vadd.s32 s22, v1;
	[tilespmem:v4+s15+$0x0] =	vst.idx.add.f32.msk $0xffff, v2  }
0x44: {  	v4 =	vadd.s32 s21, v1;
	[tilespmem:v3+s14+$0x0] =	vst.idx.add.f32.msk $0xffff, v6  }
0x45: {  	[tilespmem:v3+s15+$0x0] =	vst.idx.add.f32.msk $0xffff, v2  }
0x46: {  	v10 =	vld.idx.msk [tilespmem:v8+s10+$0x0], $0xffff  }
0x47: {  	v11 =	vld.idx.msk [tilespmem:v7+s2+$0x0], $0xffff  }
0x48: {  	v6 =	vld.idx.msk [tilespmem:v8+s2+$0x0], $0xffff  }
0x49: {  	v8 =	vld.idx.msk [tilespmem:v5+s2+$0x0], $0xffff  }
0x4a: {  	v12 =	vld.idx.msk [tilespmem:v7+s10+$0x0], $0xffff  }
0x4b: {  	v7 =	vld.idx.msk [tilespmem:v5+s10+$0x0], $0xffff  }
0x4c: {  	v3 =	vld.idx.msk [tilespmem:v9+s10+$0x0], $0xffff  }
0x4d: {  	v5 =	vld.idx.msk [tilespmem:v4+s2+$0x0], $0xffff  }
0x4e: {  	v4 =	vld.idx.msk [tilespmem:v4+s10+$0x0], $0xffff  }
0x4f: {  	[tilespmem:v10+s14+$0x0] =	vst.idx.add.f32.msk $0xffff, v6  }
.Ltmp1:
0x50: {  	v6 =	vld.idx.msk [tilespmem:v9+s2+$0x0], $0xffff;
	(pc) =	sbr.rel @p0 .LBB2_4-.Ltmp1, $4  }
0x51: {  	[tilespmem:v10+s15+$0x0] =	vst.idx.add.f32.msk $0xffff, v2  }
0x52: {  	[tilespmem:v12+s14+$0x0] =	vst.idx.add.f32.msk $0xffff, v11  }
0x53: {  	[tilespmem:v12+s15+$0x0] =	vst.idx.add.f32.msk $0xffff, v2  }
0x54: {  	s21 =	smov.u32 s25;
	[tilespmem:v7+s14+$0x0] =	vst.idx.add.f32.msk $0xffff, v8  }
0x55: {  	_ =	sdelay $0x3  }
0x56: {  	[tilespmem:v7+s15+$0x0] =	vst.idx.add.f32.msk $0xffff, v2  }
0x57: {  	[tilespmem:v4+s14+$0x0] =	vst.idx.add.f32.msk $0xffff, v5  }
0x58: {  	[tilespmem:v3+s14+$0x0] =	vst.idx.add.f32.msk $0xffff, v6  }
0x59: {  	[tilespmem:v4+s15+$0x0] =	vst.idx.add.f32.msk $0xffff, v2  }
0x5a: {  	s21 =	simm.s32 $0x0;
	[tilespmem:v3+s15+$0x0] =	vst.idx.add.f32.msk $0xffff, v2  }
0x5b: {  	[tilespmem:s21], [sflag:$0x1] =	stream.linear.gather [hbm4b:s5+s21], $0x36B0, $0x38;
	[tilespmem:$0x12B00] =	vst v63  }
0x5c: {  	_ = 	snop  }
0x5d: {  	[tilespmem:s10], [sflag:$0x1] =	stream.linear.gather [hbm4b:s6+s21], $0x36B0, $0x38;
	[tilespmem:$0x12B00] =	vst v63  }
0x5e: {  	_ =	swait.ge [sflag:s16], $0x36B0  }
0x5f: {  	s28 =	simm.s32 $0x4;
	v3 =	vadd.s32 s21, v1;
	[sflag:s16] =	ssyncset.done $0x0  }
0x60: {  	v4 =	vadd.s32 s28, v1;
	[sflag:s16] =	ssyncadd.s32 $0xFFFFC950  }
0x61: {  	_ =	swait.ge [sflag:s16], $0x36B0  }
0x62: {  	s29 =	simm.s32 $0x2;
	[sflag:s16] =	ssyncset.done $0x0  }
0x63: {  	v5 =	vadd.s32 s29, v1;
	[sflag:s16] =	ssyncadd.s32 $0xFFFFC950  }
0x64: {  	s30 =	simm.s32 $0x1;
	v8 =	vld.idx.msk [tilespmem:v3+s12+$0x0], $0xffff  }
0x65: {  	s31 =	simm.s32 $0x3;
	v6 =	vadd.s32 s30, v1;
	v9 =	vld.idx.msk [tilespmem:v4+s11+$0x0], $0xffff  }
0x66: {  	v10 =	vadd.s32 s31, v1;
	v11 =	vld.idx.msk [tilespmem:v3+s11+$0x0], $0xffff  }
0x67: {  	v13 =	vld.idx.msk [tilespmem:v4+s12+$0x0], $0xffff  }
0x68: {  	v7 =	vld.idx.msk [tilespmem:v5+s12+$0x0], $0xffff  }
0x69: {  	v12 =	vld.idx.msk [tilespmem:v5+s11+$0x0], $0xffff  }
0x6a: {  	v3 =	vld.idx.msk [tilespmem:v6+s12+$0x0], $0xffff  }
0x6b: {  	v5 =	vld.idx.msk [tilespmem:v10+s11+$0x0], $0xffff  }
0x6c: {  	v4 =	vld.idx.msk [tilespmem:v10+s12+$0x0], $0xffff  }
0x6d: {  	v6 =	vld.idx.msk [tilespmem:v6+s11+$0x0], $0xffff  }
0x6e: {  	[tilespmem:v8+s14+$0x0] =	vst.idx.add.f32.msk $0xffff, v11  }
0x6f: {  	[tilespmem:v13+s14+$0x0] =	vst.idx.add.f32.msk $0xffff, v9  }
0x70: {  	[tilespmem:v7+s14+$0x0] =	vst.idx.add.f32.msk $0xffff, v12  }
0x71: {  	[tilespmem:v8+s15+$0x0] =	vst.idx.add.f32.msk $0xffff, v2  }
0x72: {  	s21 =	simm.s32 $0x5;
	[tilespmem:v13+s15+$0x0] =	vst.idx.add.f32.msk $0xffff, v2  }
.LBB2_6:
0x73: {  	s22 =	sadd.s32 $0x1, s21  }
0x74: {  	v8 =	vadd.s32 s21, v1;
	s23 =	sadd.s32 $0x4, s21;
	[tilespmem:v7+s15+$0x0] =	vst.idx.add.f32.msk $0xffff, v2;
	s24 =	smov.u32 s21;
	s25 =	sadd.s32 $0x5, s21  }
0x75: {  	p0 =	slt.u32 s21, $0x366;
	v9 =	vadd.s32 s22, v1;
	s22 =	sadd.s32 $0x2, s24;
	v7 =	vadd.s32 s23, v1;
	[tilespmem:v4+s14+$0x0] =	vst.idx.add.f32.msk $0xffff, v5  }
0x76: {  	s21 =	sadd.s32 $0x3, s24;
	v5 =	vadd.s32 s22, v1;
	[tilespmem:v4+s15+$0x0] =	vst.idx.add.f32.msk $0xffff, v2  }
0x77: {  	v4 =	vadd.s32 s21, v1;
	[tilespmem:v3+s14+$0x0] =	vst.idx.add.f32.msk $0xffff, v6  }
0x78: {  	[tilespmem:v3+s15+$0x0] =	vst.idx.add.f32.msk $0xffff, v2  }
0x79: {  	v10 =	vld.idx.msk [tilespmem:v8+s12+$0x0], $0xffff  }
0x7a: {  	v11 =	vld.idx.msk [tilespmem:v7+s11+$0x0], $0xffff  }
0x7b: {  	v6 =	vld.idx.msk [tilespmem:v8+s11+$0x0], $0xffff  }
0x7c: {  	v8 =	vld.idx.msk [tilespmem:v5+s11+$0x0], $0xffff  }
0x7d: {  	v12 =	vld.idx.msk [tilespmem:v7+s12+$0x0], $0xffff  }
0x7e: {  	v7 =	vld.idx.msk [tilespmem:v5+s12+$0x0], $0xffff  }
0x7f: {  	v3 =	vld.idx.msk [tilespmem:v9+s12+$0x0], $0xffff  }
0x80: {  	v5 =	vld.idx.msk [tilespmem:v4+s11+$0x0], $0xffff  }
0x81: {  	v4 =	vld.idx.msk [tilespmem:v4+s12+$0x0], $0xffff  }
0x82: {  	[tilespmem:v10+s14+$0x0] =	vst.idx.add.f32.msk $0xffff, v6  }
.Ltmp2:
0x83: {  	v6 =	vld.idx.msk [tilespmem:v9+s11+$0x0], $0xffff;
	(pc) =	sbr.rel @p0 .LBB2_6-.Ltmp2, $4  }
0x84: {  	[tilespmem:v10+s15+$0x0] =	vst.idx.add.f32.msk $0xffff, v2  }
0x85: {  	[tilespmem:v12+s14+$0x0] =	vst.idx.add.f32.msk $0xffff, v11  }
0x86: {  	[tilespmem:v12+s15+$0x0] =	vst.idx.add.f32.msk $0xffff, v2  }
0x87: {  	s21 =	smov.u32 s25;
	[tilespmem:v7+s14+$0x0] =	vst.idx.add.f32.msk $0xffff, v8  }
0x88: {  	_ =	sdelay $0x3  }
0x89: {  	[tilespmem:v7+s15+$0x0] =	vst.idx.add.f32.msk $0xffff, v2  }
0x8a: {  	[tilespmem:v4+s14+$0x0] =	vst.idx.add.f32.msk $0xffff, v5  }
0x8b: {  	[tilespmem:v3+s14+$0x0] =	vst.idx.add.f32.msk $0xffff, v6  }
0x8c: {  	[tilespmem:v4+s15+$0x0] =	vst.idx.add.f32.msk $0xffff, v2  }
0x8d: {  	[tilespmem:v3+s15+$0x0] =	vst.idx.add.f32.msk $0xffff, v2  }
0x8e: {  	_ =	swait.ge [sflag:s13], $0x36B0  }
0x8f: {  	[sflag:s13] =	ssyncset.done $0x0  }
0x90: {  	[sflag:s13] =	ssyncadd.s32 $0xFFFFC950  }
0x91: {  	_ =	swait.ge [sflag:s13], $0x36B0  }
0x92: {  	[sflag:s13] =	ssyncset.done $0x0  }
0x93: {  	[sflag:s13] =	ssyncadd.s32 $0xFFFFC950  }
0x94: {  	[hbm4b:s7+s17] =	stream.strided.scatter [tilespmem:s14], [sflag:$0x3], $0x2780, s18, s17, $0x38;
	[tilespmem:$0x12B00] =	vst v63  }
0x95: {  	s20 =	sadd.s32 $0x1, s20;
	_ =	swait.ge [sflag:s19], $0x2780  }
0x96: {  	p0 =	sne.s32 s20, s9;
	[sflag:s19] =	ssyncset.done $0x0  }
.Ltmp3:
0x97: {  	[sflag:s19] =	ssyncadd.s32 $0xFFFFD880;
	(pc) =	sbr.rel @p0 .LBB2_1-.Ltmp3, $4  }
0x98: {  	[hbm4b:s8+s17] =	stream.strided.scatter [tilespmem:s15], [sflag:$0x3], $0x2780, s18, s17, $0x38;
	[tilespmem:$0x12B00] =	vst v63  }
0x99: {  	_ =	swait.ge [sflag:s19], $0x2780  }
0x9a: {  	[sflag:s19] =	ssyncset.done $0x0  }
0x9b: {  	[sflag:s19] =	ssyncadd.s32 $0xFFFFD880  }
0x9c: {  	_ =	sfence.sel $0x180000  }
0x9d: {  	[bflag:$0x0] =	sbarrier.arrive $0xFFFF  }
0x9e: {  	p0 =	sne.s32 s1, $0x0;
	_ =	strace $0x9000004D  }
0x9f: {  	s0 =	sadd.s32 @!p0 $0x100000, s0;
	[bflag:$0x2] =	sbarrier.arrive $0xFFFF  }
0xa0: {  	[sflag:s0] =	ssyncadd.tile.s32 @!p0 $0x1;
	_ =	shalt  }
.Lfunc_end2:
_tile_overlayer_lowered:
.L_overlay_start_2:
0xa1: {  	(tag) =	ssettag $0x2  }
0xa2: {  	s0 =	rddreg [dreg:$0x0];
	s2 =	stileid.u32  }
0xa3: {  	s1 =	rddreg [dreg:$0x1];
	p0 =	sne.s32 s2, $0x0  }
0xa4: {  	s3 =	rddreg [dreg:$0x2];
	[bflag:$0x3] =	sbarrier.arrive $0xFFFF;
	s2 =	simm.s32 @!p0 $0x1C03  }
0xa5: {  	[timem:s3], [sflag:s2] =	dma.local @!p0 [hbm:s0], s1  }
0xa6: {  	s0 =	simm.s32 @!p0 $0x3  }
0xa7: {  	_ =	swait.ge @!p0 [sflag:s0], s1  }
0xa8: {  	s1 =	ssub.s32 @!p0 $0x0, s1;
	[sflag:s0] =	ssyncset.done @!p0 $0x0  }
0xa9: {  	[sflag:s0] =	ssyncadd.s32 @!p0 s1  }
0xaa: {  	[bflag:$0x3] =	sbarrier.arrive $0xFFFF  }
0xab: {  	_ =	shalt  }

</sc_bundles>
